<compile_context>
chip_gen: v7x
topology: tpu7x:2x2x1
jax: 0.10.2.dev20260603
libtpu: 0.0.44.dev20260713+nightly
codegen_flags: <defaults>
</compile_context>

<pallas_src>
import jax
import jax.numpy as jnp
from jax import lax
from jax.experimental import pallas as pl
from jax.experimental.pallas import tpu as pltpu
from jax.experimental.pallas import tpu_sc as plsc

_NUM_CORES = 2
_NUM_SUBCORES = 16
_HALF = 32
_NBUF = 4


def kernel(x, table):
    batch, seq = x.shape
    vocab, emb = table.shape
    nw = _NUM_CORES * _NUM_SUBCORES
    bpw = batch // nw
    seq_pad = seq + (-seq) % 8
    per_w = seq_pad * bpw
    nch = seq * (bpw // _HALF)

    xt = jnp.pad(x.astype(jnp.int32).T, ((0, seq_pad - seq), (0, 0)))
    arr = xt.reshape(seq_pad, nw, bpw).transpose(1, 0, 2).reshape(nw, per_w)

    mesh = plsc.VectorSubcoreMesh(core_axis_name="c", subcore_axis_name="s")

    @pl.kernel(
        out_type=jax.ShapeDtypeStruct((seq, batch, emb), jnp.float32),
        mesh=mesh,
        scratch_types=[
            pltpu.VMEM((per_w,), jnp.int32),
            pltpu.VMEM((_NBUF, _HALF, emb), jnp.float32),
            pltpu.SemaphoreType.DMA((_NBUF,)),
            pltpu.SemaphoreType.DMA((_NBUF,)),
        ],
    )
    def k(table_hbm, i_hbm, o_hbm, idx_v, buf, gsem, osem):
        wid = lax.axis_index("s") * _NUM_CORES + lax.axis_index("c")
        base_b = wid * bpw
        pltpu.sync_copy(i_hbm.at[wid], idx_v)

        def g_copy(g, b):
            return pltpu.make_async_copy(
                table_hbm.at[idx_v.at[pl.ds(g * _HALF, _HALF)]],
                buf.at[b],
                gsem.at[b])

        nq = bpw // _HALF

        def o_copy(g, b):
            return pltpu.make_async_copy(
                buf.at[b],
                o_hbm.at[g // nq, pl.ds(base_b + (g % nq) * _HALF, _HALF)],
                osem.at[b])

        for b in range(_NBUF):
            g_copy(b, b).start()
        for g in (0, 1, 2, 3):
            b = g % _NBUF
            g_copy(g, b).wait()
            o_copy(g, b).start()
            if g >= 1:
                o_copy(g - 1, (g - 1) % _NBUF).wait()
                g_copy(g + 3, (g - 1) % _NBUF).start()

        @pl.loop(1, nch // _NBUF - 1)
        def _(c):
            for u in range(_NBUF):
                g = c * _NBUF + u
                g_copy(g, u).wait()
                o_copy(g, u).start()
                o_copy(g - 1, (g - 1) % _NBUF).wait()
                g_copy(g + 3, (g + 3) % _NBUF).start()

        for g in range(nch - _NBUF, nch):
            b = g % _NBUF
            g_copy(g, b).wait()
            o_copy(g, b).start()
            o_copy(g - 1, (g - 1) % _NBUF).wait()
            if g == nch - _NBUF:
                g_copy(nch - 1, (nch - 1) % _NBUF).start()
        o_copy(nch - 1, (nch - 1) % _NBUF).wait()

    return k(table, arr).transpose(1, 0, 2)

# --- scband reference (transcript-rebuilt; emitter-appended) ---
"""Pipeline reference for scband-tgt-text-embeddings-34351148433862 (READ-ONLY COPY).

The authoritative reference and input builder live on the scoring server;
editing this copy changes nothing except your own understanding.
"""

import jax, jax.numpy as jnp
import numpy as np

VOCAB = 100000
EMB = 512
BATCH = 4096
SEQ = 50

def setup_inputs(seed: int = 0) -> dict:
    key = jax.random.key(seed)
    k1, k2 = jax.random.split(key)
    x = jax.random.randint(k1, (BATCH, SEQ), 0, VOCAB, dtype=jnp.int64 if jax.config.jax_enable_x64 else jnp.int32)
    table = jax.random.normal(k2, (VOCAB, EMB), dtype=jnp.float32)
    return {"x": x, "table": table}

def reference(x, table):
    # nn.Embedding forward: row gather from embedding table
    return jnp.take(table, x, axis=0)

if __name__ == "__main__":
    import jax
    _d = setup_inputs()
    print(jax.jit(kernel)(*tuple(_d.values())))

</pallas_src>

<mosaic_0001>
#map = affine_map<(d0, d1) -> (0, 0)>
#map1 = affine_map<(d0, d1) -> (0, 0, 0)>
module attributes {stable_mosaic.version = 14 : i64} {
  func.func @k(%arg0: i32, %arg1: i32, %arg2: memref<100000x512xf32, #tpu.memory_space<hbm>>, %arg3: memref<32x7168xi32, #tpu.memory_space<hbm>>, %arg4: memref<50x4096x512xf32, #tpu.memory_space<hbm>>, %arg5: memref<7168xi32, #tpu.memory_space<vmem>>, %arg6: memref<4x32x512xf32, #tpu.memory_space<vmem>>, %arg7: memref<4x!tpu.dma_semaphore, #tpu.memory_space<semaphore_mem>>, %arg8: memref<4x!tpu.dma_semaphore, #tpu.memory_space<semaphore_mem>>) attributes {dimension_semantics = [#tpu.dimension_semantics<core_parallel>, #tpu.dimension_semantics<subcore_parallel>], iteration_bounds = array<i64: 2, 16>, scalar_prefetch = 0 : i64, scratch_operands = 4 : i64, tpu.core_type = #tpu.core_type<sc_vector_subcore>, window_params = [{transform_indices = #map}, {transform_indices = #map}, {transform_indices = #map1}]} {
    %mul3A = arith.constant 2 : i32
    %mul3A_0 = arith.muli %arg1, %mul3A : i32
    %add3A = arith.addi %mul3A_0, %arg0 : i32
    %mul3A_1 = arith.constant 128 : i32
    %mul3A_2 = arith.muli %add3A, %mul3A_1 : i32
    "tpu.region"() ({
      %run_scoped3A = tpu.sem_alloc : memref<!tpu.dma_semaphore, #tpu.memory_space<semaphore_mem>>
      %dma_start3A_549 = arith.constant 0 : i32
      %dma_start3A_550 = tpu.memref_slice %arg3[%add3A, %dma_start3A_549] : memref<32x7168xi32, #tpu.memory_space<hbm>> -> memref<1x7168xi32, #tpu.memory_space<hbm>>
      %dma_start3A_551 = tpu.memref_squeeze %dma_start3A_550 : memref<1x7168xi32, #tpu.memory_space<hbm>> -> memref<7168xi32, #tpu.memory_space<hbm>>
      %dma_start3A_552 = arith.constant 0 : i32
      %dma_start3A_553 = tpu.memref_slice %arg3[%add3A, %dma_start3A_552] : memref<32x7168xi32, #tpu.memory_space<hbm>> -> memref<1x7168xi32, #tpu.memory_space<hbm>>
      %dma_start3A_554 = tpu.memref_squeeze %dma_start3A_553 : memref<1x7168xi32, #tpu.memory_space<hbm>> -> memref<7168xi32, #tpu.memory_space<hbm>>
      tpu.enqueue_dma source(%dma_start3A_554 : memref<7168xi32, #tpu.memory_space<hbm>>) target(%arg5 : memref<7168xi32, #tpu.memory_space<vmem>>) target_semaphore(%run_scoped3A : memref<!tpu.dma_semaphore, #tpu.memory_space<semaphore_mem>>)
      %dma_wait3A_555 = arith.constant 0 : i32
      %dma_wait3A_556 = tpu.memref_slice %arg3[%add3A, %dma_wait3A_555] : memref<32x7168xi32, #tpu.memory_space<hbm>> -> memref<1x7168xi32, #tpu.memory_space<hbm>>
      %dma_wait3A_557 = tpu.memref_squeeze %dma_wait3A_556 : memref<1x7168xi32, #tpu.memory_space<hbm>> -> memref<7168xi32, #tpu.memory_space<hbm>>
      %dma_wait3A_558 = arith.constant 0 : i32
      %dma_wait3A_559 = tpu.memref_slice %arg3[%add3A, %dma_wait3A_558] : memref<32x7168xi32, #tpu.memory_space<hbm>> -> memref<1x7168xi32, #tpu.memory_space<hbm>>
      %dma_wait3A_560 = tpu.memref_squeeze %dma_wait3A_559 : memref<1x7168xi32, #tpu.memory_space<hbm>> -> memref<7168xi32, #tpu.memory_space<hbm>>
      tpu.wait_dma2 semaphore(%run_scoped3A : memref<!tpu.dma_semaphore, #tpu.memory_space<semaphore_mem>>) src(%dma_wait3A_560 : memref<7168xi32, #tpu.memory_space<hbm>>) dst(%arg5 : memref<7168xi32, #tpu.memory_space<vmem>>)
      tpu.yield
    }) : () -> ()
    %dma_start3A = arith.constant 0 : i32
    %dma_start3A_3 = arith.constant 0 : i32
    %dma_start3A_4 = arith.constant 0 : i32
    %dma_start3A_5 = arith.constant 0 : i32
    %dma_start3A_6 = tpu.memref_slice %arg6[%dma_start3A, %dma_start3A_4, %dma_start3A_5] : memref<4x32x512xf32, #tpu.memory_space<vmem>> -> memref<1x32x512xf32, #tpu.memory_space<vmem>>
    %dma_start3A_7 = tpu.memref_squeeze %dma_start3A_6 : memref<1x32x512xf32, #tpu.memory_space<vmem>> -> memref<32x512xf32, #tpu.memory_space<vmem>>
    %dma_start3A_8 = arith.constant 0 : i32
    %dma_start3A_9 = tpu.memref_slice %arg5[%dma_start3A_8] : memref<7168xi32, #tpu.memory_space<vmem>> -> memref<32xi32, #tpu.memory_space<vmem>>
    %dma_start3A_10 = arith.constant 0 : i32
    %dma_start3A_11 = arith.constant 0 : i32
    %dma_start3A_12 = tpu.memref_slice %arg2[%dma_start3A_10, %dma_start3A_11] : memref<100000x512xf32, #tpu.memory_space<hbm>> -> memref<100000x512xf32, #tpu.memory_space<hbm>>
    %dma_start3A_13 = tpu.memref_slice %arg7[%dma_start3A_3] : memref<4x!tpu.dma_semaphore, #tpu.memory_space<semaphore_mem>> -> memref<1x!tpu.dma_semaphore, #tpu.memory_space<semaphore_mem>>
    %dma_start3A_14 = tpu.memref_squeeze %dma_start3A_13 : memref<1x!tpu.dma_semaphore, #tpu.memory_space<semaphore_mem>> -> memref<!tpu.dma_semaphore, #tpu.memory_space<semaphore_mem>>
    tpu.enqueue_indirect_dma source(%dma_start3A_12 : memref<100000x512xf32, #tpu.memory_space<hbm>>) target(%dma_start3A_7 : memref<32x512xf32, #tpu.memory_space<vmem>>) offsets(%dma_start3A_9 : memref<32xi32, #tpu.memory_space<vmem>>) semaphore(%dma_start3A_14 : memref<!tpu.dma_semaphore, #tpu.memory_space<semaphore_mem>>)
    %dma_start3A_15 = arith.constant 1 : i32
    %dma_start3A_16 = arith.constant 1 : i32
    %dma_start3A_17 = arith.constant 0 : i32
    %dma_start3A_18 = arith.constant 0 : i32
    %dma_start3A_19 = tpu.memref_slice %arg6[%dma_start3A_15, %dma_start3A_17, %dma_start3A_18] : memref<4x32x512xf32, #tpu.memory_space<vmem>> -> memref<1x32x512xf32, #tpu.memory_space<vmem>>
    %dma_start3A_20 = tpu.memref_squeeze %dma_start3A_19 : memref<1x32x512xf32, #tpu.memory_space<vmem>> -> memref<32x512xf32, #tpu.memory_space<vmem>>
    %dma_start3A_21 = arith.constant 32 : i32
    %dma_start3A_22 = tpu.memref_slice %arg5[%dma_start3A_21] : memref<7168xi32, #tpu.memory_space<vmem>> -> memref<32xi32, #tpu.memory_space<vmem>>
    %dma_start3A_23 = arith.constant 0 : i32
    %dma_start3A_24 = arith.constant 0 : i32
    %dma_start3A_25 = tpu.memref_slice %arg2[%dma_start3A_23, %dma_start3A_24] : memref<100000x512xf32, #tpu.memory_space<hbm>> -> memref<100000x512xf32, #tpu.memory_space<hbm>>
    %dma_start3A_26 = tpu.memref_slice %arg7[%dma_start3A_16] : memref<4x!tpu.dma_semaphore, #tpu.memory_space<semaphore_mem>> -> memref<1x!tpu.dma_semaphore, #tpu.memory_space<semaphore_mem>>
    %dma_start3A_27 = tpu.memref_squeeze %dma_start3A_26 : memref<1x!tpu.dma_semaphore, #tpu.memory_space<semaphore_mem>> -> memref<!tpu.dma_semaphore, #tpu.memory_space<semaphore_mem>>
    tpu.enqueue_indirect_dma source(%dma_start3A_25 : memref<100000x512xf32, #tpu.memory_space<hbm>>) target(%dma_start3A_20 : memref<32x512xf32, #tpu.memory_space<vmem>>) offsets(%dma_start3A_22 : memref<32xi32, #tpu.memory_space<vmem>>) semaphore(%dma_start3A_27 : memref<!tpu.dma_semaphore, #tpu.memory_space<semaphore_mem>>)
    %dma_start3A_28 = arith.constant 2 : i32
    %dma_start3A_29 = arith.constant 2 : i32
    %dma_start3A_30 = arith.constant 0 : i32
    %dma_start3A_31 = arith.constant 0 : i32
    %dma_start3A_32 = tpu.memref_slice %arg6[%dma_start3A_28, %dma_start3A_30, %dma_start3A_31] : memref<4x32x512xf32, #tpu.memory_space<vmem>> -> memref<1x32x512xf32, #tpu.memory_space<vmem>>
    %dma_start3A_33 = tpu.memref_squeeze %dma_start3A_32 : memref<1x32x512xf32, #tpu.memory_space<vmem>> -> memref<32x512xf32, #tpu.memory_space<vmem>>
    %dma_start3A_34 = arith.constant 64 : i32
    %dma_start3A_35 = tpu.memref_slice %arg5[%dma_start3A_34] : memref<7168xi32, #tpu.memory_space<vmem>> -> memref<32xi32, #tpu.memory_space<vmem>>
    %dma_start3A_36 = arith.constant 0 : i32
    %dma_start3A_37 = arith.constant 0 : i32
    %dma_start3A_38 = tpu.memref_slice %arg2[%dma_start3A_36, %dma_start3A_37] : memref<100000x512xf32, #tpu.memory_space<hbm>> -> memref<100000x512xf32, #tpu.memory_space<hbm>>
    %dma_start3A_39 = tpu.memref_slice %arg7[%dma_start3A_29] : memref<4x!tpu.dma_semaphore, #tpu.memory_space<semaphore_mem>> -> memref<1x!tpu.dma_semaphore, #tpu.memory_space<semaphore_mem>>
    %dma_start3A_40 = tpu.memref_squeeze %dma_start3A_39 : memref<1x!tpu.dma_semaphore, #tpu.memory_space<semaphore_mem>> -> memref<!tpu.dma_semaphore, #tpu.memory_space<semaphore_mem>>
    tpu.enqueue_indirect_dma source(%dma_start3A_38 : memref<100000x512xf32, #tpu.memory_space<hbm>>) target(%dma_start3A_33 : memref<32x512xf32, #tpu.memory_space<vmem>>) offsets(%dma_start3A_35 : memref<32xi32, #tpu.memory_space<vmem>>) semaphore(%dma_start3A_40 : memref<!tpu.dma_semaphore, #tpu.memory_space<semaphore_mem>>)
    %dma_start3A_41 = arith.constant 3 : i32
    %dma_start3A_42 = arith.constant 3 : i32
    %dma_start3A_43 = arith.constant 0 : i32
    %dma_start3A_44 = arith.constant 0 : i32
    %dma_start3A_45 = tpu.memref_slice %arg6[%dma_start3A_41, %dma_start3A_43, %dma_start3A_44] : memref<4x32x512xf32, #tpu.memory_space<vmem>> -> memref<1x32x512xf32, #tpu.memory_space<vmem>>
    %dma_start3A_46 = tpu.memref_squeeze %dma_start3A_45 : memref<1x32x512xf32, #tpu.memory_space<vmem>> -> memref<32x512xf32, #tpu.memory_space<vmem>>
    %dma_start3A_47 = arith.constant 96 : i32
    %dma_start3A_48 = tpu.memref_slice %arg5[%dma_start3A_47] : memref<7168xi32, #tpu.memory_space<vmem>> -> memref<32xi32, #tpu.memory_space<vmem>>
    %dma_start3A_49 = arith.constant 0 : i32
    %dma_start3A_50 = arith.constant 0 : i32
    %dma_start3A_51 = tpu.memref_slice %arg2[%dma_start3A_49, %dma_start3A_50] : memref<100000x512xf32, #tpu.memory_space<hbm>> -> memref<100000x512xf32, #tpu.memory_space<hbm>>
    %dma_start3A_52 = tpu.memref_slice %arg7[%dma_start3A_42] : memref<4x!tpu.dma_semaphore, #tpu.memory_space<semaphore_mem>> -> memref<1x!tpu.dma_semaphore, #tpu.memory_space<semaphore_mem>>
    %dma_start3A_53 = tpu.memref_squeeze %dma_start3A_52 : memref<1x!tpu.dma_semaphore, #tpu.memory_space<semaphore_mem>> -> memref<!tpu.dma_semaphore, #tpu.memory_space<semaphore_mem>>
    tpu.enqueue_indirect_dma source(%dma_start3A_51 : memref<100000x512xf32, #tpu.memory_space<hbm>>) target(%dma_start3A_46 : memref<32x512xf32, #tpu.memory_space<vmem>>) offsets(%dma_start3A_48 : memref<32xi32, #tpu.memory_space<vmem>>) semaphore(%dma_start3A_53 : memref<!tpu.dma_semaphore, #tpu.memory_space<semaphore_mem>>)
    %dma_wait3A = arith.constant 0 : i32
    %dma_wait3A_54 = arith.constant 0 : i32
    %dma_wait3A_55 = arith.constant 0 : i32
    %dma_wait3A_56 = arith.constant 0 : i32
    %dma_wait3A_57 = tpu.memref_slice %arg6[%dma_wait3A, %dma_wait3A_55, %dma_wait3A_56] : memref<4x32x512xf32, #tpu.memory_space<vmem>> -> memref<1x32x512xf32, #tpu.memory_space<vmem>>
    %dma_wait3A_58 = tpu.memref_squeeze %dma_wait3A_57 : memref<1x32x512xf32, #tpu.memory_space<vmem>> -> memref<32x512xf32, #tpu.memory_space<vmem>>
    %dma_wait3A_59 = arith.constant 0 : i32
    %dma_wait3A_60 = tpu.memref_slice %arg5[%dma_wait3A_59] : memref<7168xi32, #tpu.memory_space<vmem>> -> memref<32xi32, #tpu.memory_space<vmem>>
    %dma_wait3A_61 = arith.constant 0 : i32
    %dma_wait3A_62 = arith.constant 0 : i32
    %dma_wait3A_63 = tpu.memref_slice %arg2[%dma_wait3A_61, %dma_wait3A_62] : memref<100000x512xf32, #tpu.memory_space<hbm>> -> memref<100000x512xf32, #tpu.memory_space<hbm>>
    %dma_wait3A_64 = tpu.memref_slice %arg7[%dma_wait3A_54] : memref<4x!tpu.dma_semaphore, #tpu.memory_space<semaphore_mem>> -> memref<1x!tpu.dma_semaphore, #tpu.memory_space<semaphore_mem>>
    %dma_wait3A_65 = tpu.memref_squeeze %dma_wait3A_64 : memref<1x!tpu.dma_semaphore, #tpu.memory_space<semaphore_mem>> -> memref<!tpu.dma_semaphore, #tpu.memory_space<semaphore_mem>>
    tpu.wait_indirect_dma semaphore(%dma_wait3A_65 : memref<!tpu.dma_semaphore, #tpu.memory_space<semaphore_mem>>) src(%dma_wait3A_63 : memref<100000x512xf32, #tpu.memory_space<hbm>>) dst(%dma_wait3A_58 : memref<32x512xf32, #tpu.memory_space<vmem>>)
    %add3A_66 = arith.constant 0 : i32
    %add3A_67 = arith.addi %mul3A_2, %add3A_66 : i32
    %dma_start3A_68 = arith.constant 0 : i32
    %dma_start3A_69 = arith.constant 0 : i32
    %dma_start3A_70 = arith.constant 0 : i32
    %dma_start3A_71 = arith.constant 0 : i32
    %dma_start3A_72 = arith.constant 0 : i32
    %dma_start3A_73 = tpu.memref_slice %arg6[%dma_start3A_68, %dma_start3A_71, %dma_start3A_72] : memref<4x32x512xf32, #tpu.memory_space<vmem>> -> memref<1x32x512xf32, #tpu.memory_space<vmem>>
    %dma_start3A_74 = tpu.memref_squeeze %dma_start3A_73 : memref<1x32x512xf32, #tpu.memory_space<vmem>> -> memref<32x512xf32, #tpu.memory_space<vmem>>
    %dma_start3A_75 = arith.constant 0 : i32
    %dma_start3A_76 = tpu.memref_slice %arg4[%dma_start3A_69, %add3A_67, %dma_start3A_75] : memref<50x4096x512xf32, #tpu.memory_space<hbm>> -> memref<1x32x512xf32, #tpu.memory_space<hbm>>
    %dma_start3A_77 = tpu.memref_squeeze %dma_start3A_76 : memref<1x32x512xf32, #tpu.memory_space<hbm>> -> memref<32x512xf32, #tpu.memory_space<hbm>>
    %dma_start3A_78 = tpu.memref_slice %arg8[%dma_start3A_70] : memref<4x!tpu.dma_semaphore, #tpu.memory_space<semaphore_mem>> -> memref<1x!tpu.dma_semaphore, #tpu.memory_space<semaphore_mem>>
    %dma_start3A_79 = tpu.memref_squeeze %dma_start3A_78 : memref<1x!tpu.dma_semaphore, #tpu.memory_space<semaphore_mem>> -> memref<!tpu.dma_semaphore, #tpu.memory_space<semaphore_mem>>
    %dma_start3A_80 = arith.constant 0 : i32
    %dma_start3A_81 = tpu.memref_slice %arg4[%dma_start3A_69, %add3A_67, %dma_start3A_80] : memref<50x4096x512xf32, #tpu.memory_space<hbm>> -> memref<1x32x512xf32, #tpu.memory_space<hbm>>
    %dma_start3A_82 = tpu.memref_squeeze %dma_start3A_81 : memref<1x32x512xf32, #tpu.memory_space<hbm>> -> memref<32x512xf32, #tpu.memory_space<hbm>>
    %dma_start3A_83 = arith.constant 0 : i32
    %dma_start3A_84 = arith.constant 0 : i32
    %dma_start3A_85 = tpu.memref_slice %arg6[%dma_start3A_68, %dma_start3A_83, %dma_start3A_84] : memref<4x32x512xf32, #tpu.memory_space<vmem>> -> memref<1x32x512xf32, #tpu.memory_space<vmem>>
    %dma_start3A_86 = tpu.memref_squeeze %dma_start3A_85 : memref<1x32x512xf32, #tpu.memory_space<vmem>> -> memref<32x512xf32, #tpu.memory_space<vmem>>
    tpu.enqueue_dma source(%dma_start3A_86 : memref<32x512xf32, #tpu.memory_space<vmem>>) target(%dma_start3A_82 : memref<32x512xf32, #tpu.memory_space<hbm>>) target_semaphore(%dma_start3A_79 : memref<!tpu.dma_semaphore, #tpu.memory_space<semaphore_mem>>)
    %dma_wait3A_87 = arith.constant 1 : i32
    %dma_wait3A_88 = arith.constant 1 : i32
    %dma_wait3A_89 = arith.constant 0 : i32
    %dma_wait3A_90 = arith.constant 0 : i32
    %dma_wait3A_91 = tpu.memref_slice %arg6[%dma_wait3A_87, %dma_wait3A_89, %dma_wait3A_90] : memref<4x32x512xf32, #tpu.memory_space<vmem>> -> memref<1x32x512xf32, #tpu.memory_space<vmem>>
    %dma_wait3A_92 = tpu.memref_squeeze %dma_wait3A_91 : memref<1x32x512xf32, #tpu.memory_space<vmem>> -> memref<32x512xf32, #tpu.memory_space<vmem>>
    %dma_wait3A_93 = arith.constant 32 : i32
    %dma_wait3A_94 = tpu.memref_slice %arg5[%dma_wait3A_93] : memref<7168xi32, #tpu.memory_space<vmem>> -> memref<32xi32, #tpu.memory_space<vmem>>
    %dma_wait3A_95 = arith.constant 0 : i32
    %dma_wait3A_96 = arith.constant 0 : i32
    %dma_wait3A_97 = tpu.memref_slice %arg2[%dma_wait3A_95, %dma_wait3A_96] : memref<100000x512xf32, #tpu.memory_space<hbm>> -> memref<100000x512xf32, #tpu.memory_space<hbm>>
    %dma_wait3A_98 = tpu.memref_slice %arg7[%dma_wait3A_88] : memref<4x!tpu.dma_semaphore, #tpu.memory_space<semaphore_mem>> -> memref<1x!tpu.dma_semaphore, #tpu.memory_space<semaphore_mem>>
    %dma_wait3A_99 = tpu.memref_squeeze %dma_wait3A_98 : memref<1x!tpu.dma_semaphore, #tpu.memory_space<semaphore_mem>> -> memref<!tpu.dma_semaphore, #tpu.memory_space<semaphore_mem>>
    tpu.wait_indirect_dma semaphore(%dma_wait3A_99 : memref<!tpu.dma_semaphore, #tpu.memory_space<semaphore_mem>>) src(%dma_wait3A_97 : memref<100000x512xf32, #tpu.memory_space<hbm>>) dst(%dma_wait3A_92 : memref<32x512xf32, #tpu.memory_space<vmem>>)
    %add3A_100 = arith.constant 32 : i32
    %add3A_101 = arith.addi %mul3A_2, %add3A_100 : i32
    %dma_start3A_102 = arith.constant 1 : i32
    %dma_start3A_103 = arith.constant 0 : i32
    %dma_start3A_104 = arith.constant 1 : i32
    %dma_start3A_105 = arith.constant 0 : i32
    %dma_start3A_106 = arith.constant 0 : i32
    %dma_start3A_107 = tpu.memref_slice %arg6[%dma_start3A_102, %dma_start3A_105, %dma_start3A_106] : memref<4x32x512xf32, #tpu.memory_space<vmem>> -> memref<1x32x512xf32, #tpu.memory_space<vmem>>
    %dma_start3A_108 = tpu.memref_squeeze %dma_start3A_107 : memref<1x32x512xf32, #tpu.memory_space<vmem>> -> memref<32x512xf32, #tpu.memory_space<vmem>>
    %dma_start3A_109 = arith.constant 0 : i32
    %dma_start3A_110 = tpu.memref_slice %arg4[%dma_start3A_103, %add3A_101, %dma_start3A_109] : memref<50x4096x512xf32, #tpu.memory_space<hbm>> -> memref<1x32x512xf32, #tpu.memory_space<hbm>>
    %dma_start3A_111 = tpu.memref_squeeze %dma_start3A_110 : memref<1x32x512xf32, #tpu.memory_space<hbm>> -> memref<32x512xf32, #tpu.memory_space<hbm>>
    %dma_start3A_112 = tpu.memref_slice %arg8[%dma_start3A_104] : memref<4x!tpu.dma_semaphore, #tpu.memory_space<semaphore_mem>> -> memref<1x!tpu.dma_semaphore, #tpu.memory_space<semaphore_mem>>
    %dma_start3A_113 = tpu.memref_squeeze %dma_start3A_112 : memref<1x!tpu.dma_semaphore, #tpu.memory_space<semaphore_mem>> -> memref<!tpu.dma_semaphore, #tpu.memory_space<semaphore_mem>>
    %dma_start3A_114 = arith.constant 0 : i32
    %dma_start3A_115 = tpu.memref_slice %arg4[%dma_start3A_103, %add3A_101, %dma_start3A_114] : memref<50x4096x512xf32, #tpu.memory_space<hbm>> -> memref<1x32x512xf32, #tpu.memory_space<hbm>>
    %dma_start3A_116 = tpu.memref_squeeze %dma_start3A_115 : memref<1x32x512xf32, #tpu.memory_space<hbm>> -> memref<32x512xf32, #tpu.memory_space<hbm>>
    %dma_start3A_117 = arith.constant 0 : i32
    %dma_start3A_118 = arith.constant 0 : i32
    %dma_start3A_119 = tpu.memref_slice %arg6[%dma_start3A_102, %dma_start3A_117, %dma_start3A_118] : memref<4x32x512xf32, #tpu.memory_space<vmem>> -> memref<1x32x512xf32, #tpu.memory_space<vmem>>
    %dma_start3A_120 = tpu.memref_squeeze %dma_start3A_119 : memref<1x32x512xf32, #tpu.memory_space<vmem>> -> memref<32x512xf32, #tpu.memory_space<vmem>>
    tpu.enqueue_dma source(%dma_start3A_120 : memref<32x512xf32, #tpu.memory_space<vmem>>) target(%dma_start3A_116 : memref<32x512xf32, #tpu.memory_space<hbm>>) target_semaphore(%dma_start3A_113 : memref<!tpu.dma_semaphore, #tpu.memory_space<semaphore_mem>>)
    %add3A_121 = arith.constant 0 : i32
    %add3A_122 = arith.addi %mul3A_2, %add3A_121 : i32
    %dma_wait3A_123 = arith.constant 0 : i32
    %dma_wait3A_124 = arith.constant 0 : i32
    %dma_wait3A_125 = arith.constant 0 : i32
    %dma_wait3A_126 = arith.constant 0 : i32
    %dma_wait3A_127 = arith.constant 0 : i32
    %dma_wait3A_128 = tpu.memref_slice %arg6[%dma_wait3A_123, %dma_wait3A_126, %dma_wait3A_127] : memref<4x32x512xf32, #tpu.memory_space<vmem>> -> memref<1x32x512xf32, #tpu.memory_space<vmem>>
    %dma_wait3A_129 = tpu.memref_squeeze %dma_wait3A_128 : memref<1x32x512xf32, #tpu.memory_space<vmem>> -> memref<32x512xf32, #tpu.memory_space<vmem>>
    %dma_wait3A_130 = arith.constant 0 : i32
    %dma_wait3A_131 = tpu.memref_slice %arg4[%dma_wait3A_124, %add3A_122, %dma_wait3A_130] : memref<50x4096x512xf32, #tpu.memory_space<hbm>> -> memref<1x32x512xf32, #tpu.memory_space<hbm>>
    %dma_wait3A_132 = tpu.memref_squeeze %dma_wait3A_131 : memref<1x32x512xf32, #tpu.memory_space<hbm>> -> memref<32x512xf32, #tpu.memory_space<hbm>>
    %dma_wait3A_133 = tpu.memref_slice %arg8[%dma_wait3A_125] : memref<4x!tpu.dma_semaphore, #tpu.memory_space<semaphore_mem>> -> memref<1x!tpu.dma_semaphore, #tpu.memory_space<semaphore_mem>>
    %dma_wait3A_134 = tpu.memref_squeeze %dma_wait3A_133 : memref<1x!tpu.dma_semaphore, #tpu.memory_space<semaphore_mem>> -> memref<!tpu.dma_semaphore, #tpu.memory_space<semaphore_mem>>
    %dma_wait3A_135 = arith.constant 0 : i32
    %dma_wait3A_136 = tpu.memref_slice %arg4[%dma_wait3A_124, %add3A_122, %dma_wait3A_135] : memref<50x4096x512xf32, #tpu.memory_space<hbm>> -> memref<1x32x512xf32, #tpu.memory_space<hbm>>
    %dma_wait3A_137 = tpu.memref_squeeze %dma_wait3A_136 : memref<1x32x512xf32, #tpu.memory_space<hbm>> -> memref<32x512xf32, #tpu.memory_space<hbm>>
    %dma_wait3A_138 = arith.constant 0 : i32
    %dma_wait3A_139 = arith.constant 0 : i32
    %dma_wait3A_140 = tpu.memref_slice %arg6[%dma_wait3A_123, %dma_wait3A_138, %dma_wait3A_139] : memref<4x32x512xf32, #tpu.memory_space<vmem>> -> memref<1x32x512xf32, #tpu.memory_space<vmem>>
    %dma_wait3A_141 = tpu.memref_squeeze %dma_wait3A_140 : memref<1x32x512xf32, #tpu.memory_space<vmem>> -> memref<32x512xf32, #tpu.memory_space<vmem>>
    tpu.wait_dma2 semaphore(%dma_wait3A_134 : memref<!tpu.dma_semaphore, #tpu.memory_space<semaphore_mem>>) src(%dma_wait3A_141 : memref<32x512xf32, #tpu.memory_space<vmem>>) dst(%dma_wait3A_137 : memref<32x512xf32, #tpu.memory_space<hbm>>)
    %dma_start3A_142 = arith.constant 0 : i32
    %dma_start3A_143 = arith.constant 0 : i32
    %dma_start3A_144 = arith.constant 0 : i32
    %dma_start3A_145 = arith.constant 0 : i32
    %dma_start3A_146 = tpu.memref_slice %arg6[%dma_start3A_142, %dma_start3A_144, %dma_start3A_145] : memref<4x32x512xf32, #tpu.memory_space<vmem>> -> memref<1x32x512xf32, #tpu.memory_space<vmem>>
    %dma_start3A_147 = tpu.memref_squeeze %dma_start3A_146 : memref<1x32x512xf32, #tpu.memory_space<vmem>> -> memref<32x512xf32, #tpu.memory_space<vmem>>
    %dma_start3A_148 = arith.constant 128 : i32
    %dma_start3A_149 = tpu.memref_slice %arg5[%dma_start3A_148] : memref<7168xi32, #tpu.memory_space<vmem>> -> memref<32xi32, #tpu.memory_space<vmem>>
    %dma_start3A_150 = arith.constant 0 : i32
    %dma_start3A_151 = arith.constant 0 : i32
    %dma_start3A_152 = tpu.memref_slice %arg2[%dma_start3A_150, %dma_start3A_151] : memref<100000x512xf32, #tpu.memory_space<hbm>> -> memref<100000x512xf32, #tpu.memory_space<hbm>>
    %dma_start3A_153 = tpu.memref_slice %arg7[%dma_start3A_143] : memref<4x!tpu.dma_semaphore, #tpu.memory_space<semaphore_mem>> -> memref<1x!tpu.dma_semaphore, #tpu.memory_space<semaphore_mem>>
    %dma_start3A_154 = tpu.memref_squeeze %dma_start3A_153 : memref<1x!tpu.dma_semaphore, #tpu.memory_space<semaphore_mem>> -> memref<!tpu.dma_semaphore, #tpu.memory_space<semaphore_mem>>
    tpu.enqueue_indirect_dma source(%dma_start3A_152 : memref<100000x512xf32, #tpu.memory_space<hbm>>) target(%dma_start3A_147 : memref<32x512xf32, #tpu.memory_space<vmem>>) offsets(%dma_start3A_149 : memref<32xi32, #tpu.memory_space<vmem>>) semaphore(%dma_start3A_154 : memref<!tpu.dma_semaphore, #tpu.memory_space<semaphore_mem>>)
    %dma_wait3A_155 = arith.constant 2 : i32
    %dma_wait3A_156 = arith.constant 2 : i32
    %dma_wait3A_157 = arith.constant 0 : i32
    %dma_wait3A_158 = arith.constant 0 : i32
    %dma_wait3A_159 = tpu.memref_slice %arg6[%dma_wait3A_155, %dma_wait3A_157, %dma_wait3A_158] : memref<4x32x512xf32, #tpu.memory_space<vmem>> -> memref<1x32x512xf32, #tpu.memory_space<vmem>>
    %dma_wait3A_160 = tpu.memref_squeeze %dma_wait3A_159 : memref<1x32x512xf32, #tpu.memory_space<vmem>> -> memref<32x512xf32, #tpu.memory_space<vmem>>
    %dma_wait3A_161 = arith.constant 64 : i32
    %dma_wait3A_162 = tpu.memref_slice %arg5[%dma_wait3A_161] : memref<7168xi32, #tpu.memory_space<vmem>> -> memref<32xi32, #tpu.memory_space<vmem>>
    %dma_wait3A_163 = arith.constant 0 : i32
    %dma_wait3A_164 = arith.constant 0 : i32
    %dma_wait3A_165 = tpu.memref_slice %arg2[%dma_wait3A_163, %dma_wait3A_164] : memref<100000x512xf32, #tpu.memory_space<hbm>> -> memref<100000x512xf32, #tpu.memory_space<hbm>>
    %dma_wait3A_166 = tpu.memref_slice %arg7[%dma_wait3A_156] : memref<4x!tpu.dma_semaphore, #tpu.memory_space<semaphore_mem>> -> memref<1x!tpu.dma_semaphore, #tpu.memory_space<semaphore_mem>>
    %dma_wait3A_167 = tpu.memref_squeeze %dma_wait3A_166 : memref<1x!tpu.dma_semaphore, #tpu.memory_space<semaphore_mem>> -> memref<!tpu.dma_semaphore, #tpu.memory_space<semaphore_mem>>
    tpu.wait_indirect_dma semaphore(%dma_wait3A_167 : memref<!tpu.dma_semaphore, #tpu.memory_space<semaphore_mem>>) src(%dma_wait3A_165 : memref<100000x512xf32, #tpu.memory_space<hbm>>) dst(%dma_wait3A_160 : memref<32x512xf32, #tpu.memory_space<vmem>>)
    %add3A_168 = arith.constant 64 : i32
    %add3A_169 = arith.addi %mul3A_2, %add3A_168 : i32
    %dma_start3A_170 = arith.constant 2 : i32
    %dma_start3A_171 = arith.constant 0 : i32
    %dma_start3A_172 = arith.constant 2 : i32
    %dma_start3A_173 = arith.constant 0 : i32
    %dma_start3A_174 = arith.constant 0 : i32
    %dma_start3A_175 = tpu.memref_slice %arg6[%dma_start3A_170, %dma_start3A_173, %dma_start3A_174] : memref<4x32x512xf32, #tpu.memory_space<vmem>> -> memref<1x32x512xf32, #tpu.memory_space<vmem>>
    %dma_start3A_176 = tpu.memref_squeeze %dma_start3A_175 : memref<1x32x512xf32, #tpu.memory_space<vmem>> -> memref<32x512xf32, #tpu.memory_space<vmem>>
    %dma_start3A_177 = arith.constant 0 : i32
    %dma_start3A_178 = tpu.memref_slice %arg4[%dma_start3A_171, %add3A_169, %dma_start3A_177] : memref<50x4096x512xf32, #tpu.memory_space<hbm>> -> memref<1x32x512xf32, #tpu.memory_space<hbm>>
    %dma_start3A_179 = tpu.memref_squeeze %dma_start3A_178 : memref<1x32x512xf32, #tpu.memory_space<hbm>> -> memref<32x512xf32, #tpu.memory_space<hbm>>
    %dma_start3A_180 = tpu.memref_slice %arg8[%dma_start3A_172] : memref<4x!tpu.dma_semaphore, #tpu.memory_space<semaphore_mem>> -> memref<1x!tpu.dma_semaphore, #tpu.memory_space<semaphore_mem>>
    %dma_start3A_181 = tpu.memref_squeeze %dma_start3A_180 : memref<1x!tpu.dma_semaphore, #tpu.memory_space<semaphore_mem>> -> memref<!tpu.dma_semaphore, #tpu.memory_space<semaphore_mem>>
    %dma_start3A_182 = arith.constant 0 : i32
    %dma_start3A_183 = tpu.memref_slice %arg4[%dma_start3A_171, %add3A_169, %dma_start3A_182] : memref<50x4096x512xf32, #tpu.memory_space<hbm>> -> memref<1x32x512xf32, #tpu.memory_space<hbm>>
    %dma_start3A_184 = tpu.memref_squeeze %dma_start3A_183 : memref<1x32x512xf32, #tpu.memory_space<hbm>> -> memref<32x512xf32, #tpu.memory_space<hbm>>
    %dma_start3A_185 = arith.constant 0 : i32
    %dma_start3A_186 = arith.constant 0 : i32
    %dma_start3A_187 = tpu.memref_slice %arg6[%dma_start3A_170, %dma_start3A_185, %dma_start3A_186] : memref<4x32x512xf32, #tpu.memory_space<vmem>> -> memref<1x32x512xf32, #tpu.memory_space<vmem>>
    %dma_start3A_188 = tpu.memref_squeeze %dma_start3A_187 : memref<1x32x512xf32, #tpu.memory_space<vmem>> -> memref<32x512xf32, #tpu.memory_space<vmem>>
    tpu.enqueue_dma source(%dma_start3A_188 : memref<32x512xf32, #tpu.memory_space<vmem>>) target(%dma_start3A_184 : memref<32x512xf32, #tpu.memory_space<hbm>>) target_semaphore(%dma_start3A_181 : memref<!tpu.dma_semaphore, #tpu.memory_space<semaphore_mem>>)
    %add3A_189 = arith.constant 32 : i32
    %add3A_190 = arith.addi %mul3A_2, %add3A_189 : i32
    %dma_wait3A_191 = arith.constant 1 : i32
    %dma_wait3A_192 = arith.constant 0 : i32
    %dma_wait3A_193 = arith.constant 1 : i32
    %dma_wait3A_194 = arith.constant 0 : i32
    %dma_wait3A_195 = arith.constant 0 : i32
    %dma_wait3A_196 = tpu.memref_slice %arg6[%dma_wait3A_191, %dma_wait3A_194, %dma_wait3A_195] : memref<4x32x512xf32, #tpu.memory_space<vmem>> -> memref<1x32x512xf32, #tpu.memory_space<vmem>>
    %dma_wait3A_197 = tpu.memref_squeeze %dma_wait3A_196 : memref<1x32x512xf32, #tpu.memory_space<vmem>> -> memref<32x512xf32, #tpu.memory_space<vmem>>
    %dma_wait3A_198 = arith.constant 0 : i32
    %dma_wait3A_199 = tpu.memref_slice %arg4[%dma_wait3A_192, %add3A_190, %dma_wait3A_198] : memref<50x4096x512xf32, #tpu.memory_space<hbm>> -> memref<1x32x512xf32, #tpu.memory_space<hbm>>
    %dma_wait3A_200 = tpu.memref_squeeze %dma_wait3A_199 : memref<1x32x512xf32, #tpu.memory_space<hbm>> -> memref<32x512xf32, #tpu.memory_space<hbm>>
    %dma_wait3A_201 = tpu.memref_slice %arg8[%dma_wait3A_193] : memref<4x!tpu.dma_semaphore, #tpu.memory_space<semaphore_mem>> -> memref<1x!tpu.dma_semaphore, #tpu.memory_space<semaphore_mem>>
    %dma_wait3A_202 = tpu.memref_squeeze %dma_wait3A_201 : memref<1x!tpu.dma_semaphore, #tpu.memory_space<semaphore_mem>> -> memref<!tpu.dma_semaphore, #tpu.memory_space<semaphore_mem>>
    %dma_wait3A_203 = arith.constant 0 : i32
    %dma_wait3A_204 = tpu.memref_slice %arg4[%dma_wait3A_192, %add3A_190, %dma_wait3A_203] : memref<50x4096x512xf32, #tpu.memory_space<hbm>> -> memref<1x32x512xf32, #tpu.memory_space<hbm>>
    %dma_wait3A_205 = tpu.memref_squeeze %dma_wait3A_204 : memref<1x32x512xf32, #tpu.memory_space<hbm>> -> memref<32x512xf32, #tpu.memory_space<hbm>>
    %dma_wait3A_206 = arith.constant 0 : i32
    %dma_wait3A_207 = arith.constant 0 : i32
    %dma_wait3A_208 = tpu.memref_slice %arg6[%dma_wait3A_191, %dma_wait3A_206, %dma_wait3A_207] : memref<4x32x512xf32, #tpu.memory_space<vmem>> -> memref<1x32x512xf32, #tpu.memory_space<vmem>>
    %dma_wait3A_209 = tpu.memref_squeeze %dma_wait3A_208 : memref<1x32x512xf32, #tpu.memory_space<vmem>> -> memref<32x512xf32, #tpu.memory_space<vmem>>
    tpu.wait_dma2 semaphore(%dma_wait3A_202 : memref<!tpu.dma_semaphore, #tpu.memory_space<semaphore_mem>>) src(%dma_wait3A_209 : memref<32x512xf32, #tpu.memory_space<vmem>>) dst(%dma_wait3A_205 : memref<32x512xf32, #tpu.memory_space<hbm>>)
    %dma_start3A_210 = arith.constant 1 : i32
    %dma_start3A_211 = arith.constant 1 : i32
    %dma_start3A_212 = arith.constant 0 : i32
    %dma_start3A_213 = arith.constant 0 : i32
    %dma_start3A_214 = tpu.memref_slice %arg6[%dma_start3A_210, %dma_start3A_212, %dma_start3A_213] : memref<4x32x512xf32, #tpu.memory_space<vmem>> -> memref<1x32x512xf32, #tpu.memory_space<vmem>>
    %dma_start3A_215 = tpu.memref_squeeze %dma_start3A_214 : memref<1x32x512xf32, #tpu.memory_space<vmem>> -> memref<32x512xf32, #tpu.memory_space<vmem>>
    %dma_start3A_216 = arith.constant 160 : i32
    %dma_start3A_217 = tpu.memref_slice %arg5[%dma_start3A_216] : memref<7168xi32, #tpu.memory_space<vmem>> -> memref<32xi32, #tpu.memory_space<vmem>>
    %dma_start3A_218 = arith.constant 0 : i32
    %dma_start3A_219 = arith.constant 0 : i32
    %dma_start3A_220 = tpu.memref_slice %arg2[%dma_start3A_218, %dma_start3A_219] : memref<100000x512xf32, #tpu.memory_space<hbm>> -> memref<100000x512xf32, #tpu.memory_space<hbm>>
    %dma_start3A_221 = tpu.memref_slice %arg7[%dma_start3A_211] : memref<4x!tpu.dma_semaphore, #tpu.memory_space<semaphore_mem>> -> memref<1x!tpu.dma_semaphore, #tpu.memory_space<semaphore_mem>>
    %dma_start3A_222 = tpu.memref_squeeze %dma_start3A_221 : memref<1x!tpu.dma_semaphore, #tpu.memory_space<semaphore_mem>> -> memref<!tpu.dma_semaphore, #tpu.memory_space<semaphore_mem>>
    tpu.enqueue_indirect_dma source(%dma_start3A_220 : memref<100000x512xf32, #tpu.memory_space<hbm>>) target(%dma_start3A_215 : memref<32x512xf32, #tpu.memory_space<vmem>>) offsets(%dma_start3A_217 : memref<32xi32, #tpu.memory_space<vmem>>) semaphore(%dma_start3A_222 : memref<!tpu.dma_semaphore, #tpu.memory_space<semaphore_mem>>)
    %dma_wait3A_223 = arith.constant 3 : i32
    %dma_wait3A_224 = arith.constant 3 : i32
    %dma_wait3A_225 = arith.constant 0 : i32
    %dma_wait3A_226 = arith.constant 0 : i32
    %dma_wait3A_227 = tpu.memref_slice %arg6[%dma_wait3A_223, %dma_wait3A_225, %dma_wait3A_226] : memref<4x32x512xf32, #tpu.memory_space<vmem>> -> memref<1x32x512xf32, #tpu.memory_space<vmem>>
    %dma_wait3A_228 = tpu.memref_squeeze %dma_wait3A_227 : memref<1x32x512xf32, #tpu.memory_space<vmem>> -> memref<32x512xf32, #tpu.memory_space<vmem>>
    %dma_wait3A_229 = arith.constant 96 : i32
    %dma_wait3A_230 = tpu.memref_slice %arg5[%dma_wait3A_229] : memref<7168xi32, #tpu.memory_space<vmem>> -> memref<32xi32, #tpu.memory_space<vmem>>
    %dma_wait3A_231 = arith.constant 0 : i32
    %dma_wait3A_232 = arith.constant 0 : i32
    %dma_wait3A_233 = tpu.memref_slice %arg2[%dma_wait3A_231, %dma_wait3A_232] : memref<100000x512xf32, #tpu.memory_space<hbm>> -> memref<100000x512xf32, #tpu.memory_space<hbm>>
    %dma_wait3A_234 = tpu.memref_slice %arg7[%dma_wait3A_224] : memref<4x!tpu.dma_semaphore, #tpu.memory_space<semaphore_mem>> -> memref<1x!tpu.dma_semaphore, #tpu.memory_space<semaphore_mem>>
    %dma_wait3A_235 = tpu.memref_squeeze %dma_wait3A_234 : memref<1x!tpu.dma_semaphore, #tpu.memory_space<semaphore_mem>> -> memref<!tpu.dma_semaphore, #tpu.memory_space<semaphore_mem>>
    tpu.wait_indirect_dma semaphore(%dma_wait3A_235 : memref<!tpu.dma_semaphore, #tpu.memory_space<semaphore_mem>>) src(%dma_wait3A_233 : memref<100000x512xf32, #tpu.memory_space<hbm>>) dst(%dma_wait3A_228 : memref<32x512xf32, #tpu.memory_space<vmem>>)
    %add3A_236 = arith.constant 96 : i32
    %add3A_237 = arith.addi %mul3A_2, %add3A_236 : i32
    %dma_start3A_238 = arith.constant 3 : i32
    %dma_start3A_239 = arith.constant 0 : i32
    %dma_start3A_240 = arith.constant 3 : i32
    %dma_start3A_241 = arith.constant 0 : i32
    %dma_start3A_242 = arith.constant 0 : i32
    %dma_start3A_243 = tpu.memref_slice %arg6[%dma_start3A_238, %dma_start3A_241, %dma_start3A_242] : memref<4x32x512xf32, #tpu.memory_space<vmem>> -> memref<1x32x512xf32, #tpu.memory_space<vmem>>
    %dma_start3A_244 = tpu.memref_squeeze %dma_start3A_243 : memref<1x32x512xf32, #tpu.memory_space<vmem>> -> memref<32x512xf32, #tpu.memory_space<vmem>>
    %dma_start3A_245 = arith.constant 0 : i32
    %dma_start3A_246 = tpu.memref_slice %arg4[%dma_start3A_239, %add3A_237, %dma_start3A_245] : memref<50x4096x512xf32, #tpu.memory_space<hbm>> -> memref<1x32x512xf32, #tpu.memory_space<hbm>>
    %dma_start3A_247 = tpu.memref_squeeze %dma_start3A_246 : memref<1x32x512xf32, #tpu.memory_space<hbm>> -> memref<32x512xf32, #tpu.memory_space<hbm>>
    %dma_start3A_248 = tpu.memref_slice %arg8[%dma_start3A_240] : memref<4x!tpu.dma_semaphore, #tpu.memory_space<semaphore_mem>> -> memref<1x!tpu.dma_semaphore, #tpu.memory_space<semaphore_mem>>
    %dma_start3A_249 = tpu.memref_squeeze %dma_start3A_248 : memref<1x!tpu.dma_semaphore, #tpu.memory_space<semaphore_mem>> -> memref<!tpu.dma_semaphore, #tpu.memory_space<semaphore_mem>>
    %dma_start3A_250 = arith.constant 0 : i32
    %dma_start3A_251 = tpu.memref_slice %arg4[%dma_start3A_239, %add3A_237, %dma_start3A_250] : memref<50x4096x512xf32, #tpu.memory_space<hbm>> -> memref<1x32x512xf32, #tpu.memory_space<hbm>>
    %dma_start3A_252 = tpu.memref_squeeze %dma_start3A_251 : memref<1x32x512xf32, #tpu.memory_space<hbm>> -> memref<32x512xf32, #tpu.memory_space<hbm>>
    %dma_start3A_253 = arith.constant 0 : i32
    %dma_start3A_254 = arith.constant 0 : i32
    %dma_start3A_255 = tpu.memref_slice %arg6[%dma_start3A_238, %dma_start3A_253, %dma_start3A_254] : memref<4x32x512xf32, #tpu.memory_space<vmem>> -> memref<1x32x512xf32, #tpu.memory_space<vmem>>
    %dma_start3A_256 = tpu.memref_squeeze %dma_start3A_255 : memref<1x32x512xf32, #tpu.memory_space<vmem>> -> memref<32x512xf32, #tpu.memory_space<vmem>>
    tpu.enqueue_dma source(%dma_start3A_256 : memref<32x512xf32, #tpu.memory_space<vmem>>) target(%dma_start3A_252 : memref<32x512xf32, #tpu.memory_space<hbm>>) target_semaphore(%dma_start3A_249 : memref<!tpu.dma_semaphore, #tpu.memory_space<semaphore_mem>>)
    %add3A_257 = arith.constant 64 : i32
    %add3A_258 = arith.addi %mul3A_2, %add3A_257 : i32
    %dma_wait3A_259 = arith.constant 2 : i32
    %dma_wait3A_260 = arith.constant 0 : i32
    %dma_wait3A_261 = arith.constant 2 : i32
    %dma_wait3A_262 = arith.constant 0 : i32
    %dma_wait3A_263 = arith.constant 0 : i32
    %dma_wait3A_264 = tpu.memref_slice %arg6[%dma_wait3A_259, %dma_wait3A_262, %dma_wait3A_263] : memref<4x32x512xf32, #tpu.memory_space<vmem>> -> memref<1x32x512xf32, #tpu.memory_space<vmem>>
    %dma_wait3A_265 = tpu.memref_squeeze %dma_wait3A_264 : memref<1x32x512xf32, #tpu.memory_space<vmem>> -> memref<32x512xf32, #tpu.memory_space<vmem>>
    %dma_wait3A_266 = arith.constant 0 : i32
    %dma_wait3A_267 = tpu.memref_slice %arg4[%dma_wait3A_260, %add3A_258, %dma_wait3A_266] : memref<50x4096x512xf32, #tpu.memory_space<hbm>> -> memref<1x32x512xf32, #tpu.memory_space<hbm>>
    %dma_wait3A_268 = tpu.memref_squeeze %dma_wait3A_267 : memref<1x32x512xf32, #tpu.memory_space<hbm>> -> memref<32x512xf32, #tpu.memory_space<hbm>>
    %dma_wait3A_269 = tpu.memref_slice %arg8[%dma_wait3A_261] : memref<4x!tpu.dma_semaphore, #tpu.memory_space<semaphore_mem>> -> memref<1x!tpu.dma_semaphore, #tpu.memory_space<semaphore_mem>>
    %dma_wait3A_270 = tpu.memref_squeeze %dma_wait3A_269 : memref<1x!tpu.dma_semaphore, #tpu.memory_space<semaphore_mem>> -> memref<!tpu.dma_semaphore, #tpu.memory_space<semaphore_mem>>
    %dma_wait3A_271 = arith.constant 0 : i32
    %dma_wait3A_272 = tpu.memref_slice %arg4[%dma_wait3A_260, %add3A_258, %dma_wait3A_271] : memref<50x4096x512xf32, #tpu.memory_space<hbm>> -> memref<1x32x512xf32, #tpu.memory_space<hbm>>
    %dma_wait3A_273 = tpu.memref_squeeze %dma_wait3A_272 : memref<1x32x512xf32, #tpu.memory_space<hbm>> -> memref<32x512xf32, #tpu.memory_space<hbm>>
    %dma_wait3A_274 = arith.constant 0 : i32
    %dma_wait3A_275 = arith.constant 0 : i32
    %dma_wait3A_276 = tpu.memref_slice %arg6[%dma_wait3A_259, %dma_wait3A_274, %dma_wait3A_275] : memref<4x32x512xf32, #tpu.memory_space<vmem>> -> memref<1x32x512xf32, #tpu.memory_space<vmem>>
    %dma_wait3A_277 = tpu.memref_squeeze %dma_wait3A_276 : memref<1x32x512xf32, #tpu.memory_space<vmem>> -> memref<32x512xf32, #tpu.memory_space<vmem>>
    tpu.wait_dma2 semaphore(%dma_wait3A_270 : memref<!tpu.dma_semaphore, #tpu.memory_space<semaphore_mem>>) src(%dma_wait3A_277 : memref<32x512xf32, #tpu.memory_space<vmem>>) dst(%dma_wait3A_273 : memref<32x512xf32, #tpu.memory_space<hbm>>)
    %dma_start3A_278 = arith.constant 2 : i32
    %dma_start3A_279 = arith.constant 2 : i32
    %dma_start3A_280 = arith.constant 0 : i32
    %dma_start3A_281 = arith.constant 0 : i32
    %dma_start3A_282 = tpu.memref_slice %arg6[%dma_start3A_278, %dma_start3A_280, %dma_start3A_281] : memref<4x32x512xf32, #tpu.memory_space<vmem>> -> memref<1x32x512xf32, #tpu.memory_space<vmem>>
    %dma_start3A_283 = tpu.memref_squeeze %dma_start3A_282 : memref<1x32x512xf32, #tpu.memory_space<vmem>> -> memref<32x512xf32, #tpu.memory_space<vmem>>
    %dma_start3A_284 = arith.constant 192 : i32
    %dma_start3A_285 = tpu.memref_slice %arg5[%dma_start3A_284] : memref<7168xi32, #tpu.memory_space<vmem>> -> memref<32xi32, #tpu.memory_space<vmem>>
    %dma_start3A_286 = arith.constant 0 : i32
    %dma_start3A_287 = arith.constant 0 : i32
    %dma_start3A_288 = tpu.memref_slice %arg2[%dma_start3A_286, %dma_start3A_287] : memref<100000x512xf32, #tpu.memory_space<hbm>> -> memref<100000x512xf32, #tpu.memory_space<hbm>>
    %dma_start3A_289 = tpu.memref_slice %arg7[%dma_start3A_279] : memref<4x!tpu.dma_semaphore, #tpu.memory_space<semaphore_mem>> -> memref<1x!tpu.dma_semaphore, #tpu.memory_space<semaphore_mem>>
    %dma_start3A_290 = tpu.memref_squeeze %dma_start3A_289 : memref<1x!tpu.dma_semaphore, #tpu.memory_space<semaphore_mem>> -> memref<!tpu.dma_semaphore, #tpu.memory_space<semaphore_mem>>
    tpu.enqueue_indirect_dma source(%dma_start3A_288 : memref<100000x512xf32, #tpu.memory_space<hbm>>) target(%dma_start3A_283 : memref<32x512xf32, #tpu.memory_space<vmem>>) offsets(%dma_start3A_285 : memref<32xi32, #tpu.memory_space<vmem>>) semaphore(%dma_start3A_290 : memref<!tpu.dma_semaphore, #tpu.memory_space<semaphore_mem>>)
    %scan3A = arith.constant 0 : i32
    %scan3A_291 = arith.constant 48 : i32
    %scan3A_292 = arith.addi %scan3A, %scan3A_291 : i32
    %scan3A_293 = arith.constant 1 : i32
    scf.for %scan3A_549 = %scan3A to %scan3A_292 step %scan3A_293  : i32 {
      %mul3A_550 = arith.constant 1 : i32
      %mul3A_551 = arith.muli %scan3A_549, %mul3A_550 : i32
      %add3A_552 = arith.constant 1 : i32
      %add3A_553 = arith.addi %add3A_552, %mul3A_551 : i32
      %mul3A_554 = arith.constant 4 : i32
      %mul3A_555 = arith.muli %add3A_553, %mul3A_554 : i32
      %add3A_556 = arith.constant 0 : i32
      %add3A_557 = arith.addi %mul3A_555, %add3A_556 : i32
      %mul3A_558 = arith.constant 32 : i32
      %mul3A_559 = arith.muli %add3A_557, %mul3A_558 : i32
      %dma_wait3A_560 = arith.constant 0 : i32
      %dma_wait3A_561 = arith.constant 0 : i32
      %dma_wait3A_562 = arith.constant 0 : i32
      %dma_wait3A_563 = arith.constant 0 : i32
      %dma_wait3A_564 = tpu.memref_slice %arg6[%dma_wait3A_560, %dma_wait3A_562, %dma_wait3A_563] : memref<4x32x512xf32, #tpu.memory_space<vmem>> -> memref<1x32x512xf32, #tpu.memory_space<vmem>>
      %dma_wait3A_565 = tpu.memref_squeeze %dma_wait3A_564 : memref<1x32x512xf32, #tpu.memory_space<vmem>> -> memref<32x512xf32, #tpu.memory_space<vmem>>
      %dma_wait3A_566 = tpu.memref_slice %arg5[%mul3A_559] : memref<7168xi32, #tpu.memory_space<vmem>> -> memref<32xi32, #tpu.memory_space<vmem>>
      %dma_wait3A_567 = arith.constant 0 : i32
      %dma_wait3A_568 = arith.constant 0 : i32
      %dma_wait3A_569 = tpu.memref_slice %arg2[%dma_wait3A_567, %dma_wait3A_568] : memref<100000x512xf32, #tpu.memory_space<hbm>> -> memref<100000x512xf32, #tpu.memory_space<hbm>>
      %dma_wait3A_570 = tpu.memref_slice %arg7[%dma_wait3A_561] : memref<4x!tpu.dma_semaphore, #tpu.memory_space<semaphore_mem>> -> memref<1x!tpu.dma_semaphore, #tpu.memory_space<semaphore_mem>>
      %dma_wait3A_571 = tpu.memref_squeeze %dma_wait3A_570 : memref<1x!tpu.dma_semaphore, #tpu.memory_space<semaphore_mem>> -> memref<!tpu.dma_semaphore, #tpu.memory_space<semaphore_mem>>
      tpu.wait_indirect_dma semaphore(%dma_wait3A_571 : memref<!tpu.dma_semaphore, #tpu.memory_space<semaphore_mem>>) src(%dma_wait3A_569 : memref<100000x512xf32, #tpu.memory_space<hbm>>) dst(%dma_wait3A_565 : memref<32x512xf32, #tpu.memory_space<vmem>>)
      %jit3A = arith.constant 4 : i32
      %div3A = arith.divsi %add3A_557, %jit3A : i32
      %sign3A = arith.constant 0 : i32
      %sign3A_572 = arith.cmpi sgt, %add3A_557, %sign3A : i32
      %sign3A_573 = arith.extui %sign3A_572 : i1 to i32
      %sign3A_574 = arith.constant 0 : i32
      %sign3A_575 = arith.cmpi slt, %add3A_557, %sign3A_574 : i32
      %sign3A_576 = arith.extui %sign3A_575 : i1 to i32
      %sign3A_577 = arith.subi %sign3A_573, %sign3A_576 : i32
      %sign3A_578 = arith.constant 0 : i32
      %sign3A_579 = arith.cmpi sgt, %jit3A, %sign3A_578 : i32
      %sign3A_580 = arith.extui %sign3A_579 : i1 to i32
      %sign3A_581 = arith.constant 0 : i32
      %sign3A_582 = arith.cmpi slt, %jit3A, %sign3A_581 : i32
      %sign3A_583 = arith.extui %sign3A_582 : i1 to i32
      %sign3A_584 = arith.subi %sign3A_580, %sign3A_583 : i32
      %ne3A = arith.cmpi ne, %sign3A_577, %sign3A_584 : i32
      %rem3A = arith.remsi %add3A_557, %jit3A : i32
      %ne3A_585 = arith.constant 0 : i32
      %ne3A_586 = arith.cmpi ne, %rem3A, %ne3A_585 : i32
      %and3A = arith.andi %ne3A, %ne3A_586 : i1
      %sub3A = arith.constant 1 : i32
      %sub3A_587 = arith.subi %div3A, %sub3A : i32
      %select_n3A = arith.select %and3A, %sub3A_587, %div3A : i32
      %jit3A_588 = arith.constant 4 : i32
      %eq3A = arith.constant 0 : i32
      %eq3A_589 = arith.cmpi eq, %jit3A_588, %eq3A : i32
      %jit3A_590 = arith.constant 1 : i32
      %select_n3A_591 = arith.select %eq3A_589, %jit3A_590, %jit3A_588 : i32
      %rem3A_592 = arith.remsi %add3A_557, %select_n3A_591 : i32
      %ne3A_593 = arith.constant 0 : i32
      %ne3A_594 = arith.cmpi ne, %rem3A_592, %ne3A_593 : i32
      %lt3A = arith.constant 0 : i32
      %lt3A_595 = arith.cmpi slt, %rem3A_592, %lt3A : i32
      %lt3A_596 = arith.constant 0 : i32
      %lt3A_597 = arith.cmpi slt, %select_n3A_591, %lt3A_596 : i32
      %ne3A_598 = arith.xori %lt3A_595, %lt3A_597 : i1
      %and3A_599 = arith.andi %ne3A_598, %ne3A_594 : i1
      %add3A_600 = arith.addi %rem3A_592, %select_n3A_591 : i32
      %select_n3A_601 = arith.select %and3A_599, %add3A_600, %rem3A_592 : i32
      %mul3A_602 = arith.constant 32 : i32
      %mul3A_603 = arith.muli %select_n3A_601, %mul3A_602 : i32
      %add3A_604 = arith.addi %mul3A_2, %mul3A_603 : i32
      %dma_start3A_605 = arith.constant 0 : i32
      %dma_start3A_606 = arith.constant 0 : i32
      %dma_start3A_607 = arith.constant 0 : i32
      %dma_start3A_608 = arith.constant 0 : i32
      %dma_start3A_609 = tpu.memref_slice %arg6[%dma_start3A_605, %dma_start3A_607, %dma_start3A_608] : memref<4x32x512xf32, #tpu.memory_space<vmem>> -> memref<1x32x512xf32, #tpu.memory_space<vmem>>
      %dma_start3A_610 = tpu.memref_squeeze %dma_start3A_609 : memref<1x32x512xf32, #tpu.memory_space<vmem>> -> memref<32x512xf32, #tpu.memory_space<vmem>>
      %dma_start3A_611 = arith.constant 0 : i32
      %dma_start3A_612 = tpu.memref_slice %arg4[%select_n3A, %add3A_604, %dma_start3A_611] : memref<50x4096x512xf32, #tpu.memory_space<hbm>> -> memref<1x32x512xf32, #tpu.memory_space<hbm>>
      %dma_start3A_613 = tpu.memref_squeeze %dma_start3A_612 : memref<1x32x512xf32, #tpu.memory_space<hbm>> -> memref<32x512xf32, #tpu.memory_space<hbm>>
      %dma_start3A_614 = tpu.memref_slice %arg8[%dma_start3A_606] : memref<4x!tpu.dma_semaphore, #tpu.memory_space<semaphore_mem>> -> memref<1x!tpu.dma_semaphore, #tpu.memory_space<semaphore_mem>>
      %dma_start3A_615 = tpu.memref_squeeze %dma_start3A_614 : memref<1x!tpu.dma_semaphore, #tpu.memory_space<semaphore_mem>> -> memref<!tpu.dma_semaphore, #tpu.memory_space<semaphore_mem>>
      %dma_start3A_616 = arith.constant 0 : i32
      %dma_start3A_617 = tpu.memref_slice %arg4[%select_n3A, %add3A_604, %dma_start3A_616] : memref<50x4096x512xf32, #tpu.memory_space<hbm>> -> memref<1x32x512xf32, #tpu.memory_space<hbm>>
      %dma_start3A_618 = tpu.memref_squeeze %dma_start3A_617 : memref<1x32x512xf32, #tpu.memory_space<hbm>> -> memref<32x512xf32, #tpu.memory_space<hbm>>
      %dma_start3A_619 = arith.constant 0 : i32
      %dma_start3A_620 = arith.constant 0 : i32
      %dma_start3A_621 = tpu.memref_slice %arg6[%dma_start3A_605, %dma_start3A_619, %dma_start3A_620] : memref<4x32x512xf32, #tpu.memory_space<vmem>> -> memref<1x32x512xf32, #tpu.memory_space<vmem>>
      %dma_start3A_622 = tpu.memref_squeeze %dma_start3A_621 : memref<1x32x512xf32, #tpu.memory_space<vmem>> -> memref<32x512xf32, #tpu.memory_space<vmem>>
      tpu.enqueue_dma source(%dma_start3A_622 : memref<32x512xf32, #tpu.memory_space<vmem>>) target(%dma_start3A_618 : memref<32x512xf32, #tpu.memory_space<hbm>>) target_semaphore(%dma_start3A_615 : memref<!tpu.dma_semaphore, #tpu.memory_space<semaphore_mem>>)
      %sub3A_623 = arith.constant 1 : i32
      %sub3A_624 = arith.subi %add3A_557, %sub3A_623 : i32
      %sub3A_625 = arith.constant 1 : i32
      %sub3A_626 = arith.subi %add3A_557, %sub3A_625 : i32
      %jit3A_627 = arith.constant 4 : i32
      %eq3A_628 = arith.constant 0 : i32
      %eq3A_629 = arith.cmpi eq, %jit3A_627, %eq3A_628 : i32
      %jit3A_630 = arith.constant 1 : i32
      %select_n3A_631 = arith.select %eq3A_629, %jit3A_630, %jit3A_627 : i32
      %rem3A_632 = arith.remsi %sub3A_626, %select_n3A_631 : i32
      %ne3A_633 = arith.constant 0 : i32
      %ne3A_634 = arith.cmpi ne, %rem3A_632, %ne3A_633 : i32
      %lt3A_635 = arith.constant 0 : i32
      %lt3A_636 = arith.cmpi slt, %rem3A_632, %lt3A_635 : i32
      %lt3A_637 = arith.constant 0 : i32
      %lt3A_638 = arith.cmpi slt, %select_n3A_631, %lt3A_637 : i32
      %ne3A_639 = arith.xori %lt3A_636, %lt3A_638 : i1
      %and3A_640 = arith.andi %ne3A_639, %ne3A_634 : i1
      %add3A_641 = arith.addi %rem3A_632, %select_n3A_631 : i32
      %select_n3A_642 = arith.select %and3A_640, %add3A_641, %rem3A_632 : i32
      %jit3A_643 = arith.constant 4 : i32
      %div3A_644 = arith.divsi %sub3A_624, %jit3A_643 : i32
      %sign3A_645 = arith.constant 0 : i32
      %sign3A_646 = arith.cmpi sgt, %sub3A_624, %sign3A_645 : i32
      %sign3A_647 = arith.extui %sign3A_646 : i1 to i32
      %sign3A_648 = arith.constant 0 : i32
      %sign3A_649 = arith.cmpi slt, %sub3A_624, %sign3A_648 : i32
      %sign3A_650 = arith.extui %sign3A_649 : i1 to i32
      %sign3A_651 = arith.subi %sign3A_647, %sign3A_650 : i32
      %sign3A_652 = arith.constant 0 : i32
      %sign3A_653 = arith.cmpi sgt, %jit3A_643, %sign3A_652 : i32
      %sign3A_654 = arith.extui %sign3A_653 : i1 to i32
      %sign3A_655 = arith.constant 0 : i32
      %sign3A_656 = arith.cmpi slt, %jit3A_643, %sign3A_655 : i32
      %sign3A_657 = arith.extui %sign3A_656 : i1 to i32
      %sign3A_658 = arith.subi %sign3A_654, %sign3A_657 : i32
      %ne3A_659 = arith.cmpi ne, %sign3A_651, %sign3A_658 : i32
      %rem3A_660 = arith.remsi %sub3A_624, %jit3A_643 : i32
      %ne3A_661 = arith.constant 0 : i32
      %ne3A_662 = arith.cmpi ne, %rem3A_660, %ne3A_661 : i32
      %and3A_663 = arith.andi %ne3A_659, %ne3A_662 : i1
      %sub3A_664 = arith.constant 1 : i32
      %sub3A_665 = arith.subi %div3A_644, %sub3A_664 : i32
      %select_n3A_666 = arith.select %and3A_663, %sub3A_665, %div3A_644 : i32
      %jit3A_667 = arith.constant 4 : i32
      %eq3A_668 = arith.constant 0 : i32
      %eq3A_669 = arith.cmpi eq, %jit3A_667, %eq3A_668 : i32
      %jit3A_670 = arith.constant 1 : i32
      %select_n3A_671 = arith.select %eq3A_669, %jit3A_670, %jit3A_667 : i32
      %rem3A_672 = arith.remsi %sub3A_624, %select_n3A_671 : i32
      %ne3A_673 = arith.constant 0 : i32
      %ne3A_674 = arith.cmpi ne, %rem3A_672, %ne3A_673 : i32
      %lt3A_675 = arith.constant 0 : i32
      %lt3A_676 = arith.cmpi slt, %rem3A_672, %lt3A_675 : i32
      %lt3A_677 = arith.constant 0 : i32
      %lt3A_678 = arith.cmpi slt, %select_n3A_671, %lt3A_677 : i32
      %ne3A_679 = arith.xori %lt3A_676, %lt3A_678 : i1
      %and3A_680 = arith.andi %ne3A_679, %ne3A_674 : i1
      %add3A_681 = arith.addi %rem3A_672, %select_n3A_671 : i32
      %select_n3A_682 = arith.select %and3A_680, %add3A_681, %rem3A_672 : i32
      %mul3A_683 = arith.constant 32 : i32
      %mul3A_684 = arith.muli %select_n3A_682, %mul3A_683 : i32
      %add3A_685 = arith.addi %mul3A_2, %mul3A_684 : i32
      %dma_wait3A_686 = arith.constant 0 : i32
      %dma_wait3A_687 = arith.constant 0 : i32
      %dma_wait3A_688 = tpu.memref_slice %arg6[%select_n3A_642, %dma_wait3A_686, %dma_wait3A_687] : memref<4x32x512xf32, #tpu.memory_space<vmem>> -> memref<1x32x512xf32, #tpu.memory_space<vmem>>
      %dma_wait3A_689 = tpu.memref_squeeze %dma_wait3A_688 : memref<1x32x512xf32, #tpu.memory_space<vmem>> -> memref<32x512xf32, #tpu.memory_space<vmem>>
      %dma_wait3A_690 = arith.constant 0 : i32
      %dma_wait3A_691 = tpu.memref_slice %arg4[%select_n3A_666, %add3A_685, %dma_wait3A_690] : memref<50x4096x512xf32, #tpu.memory_space<hbm>> -> memref<1x32x512xf32, #tpu.memory_space<hbm>>
      %dma_wait3A_692 = tpu.memref_squeeze %dma_wait3A_691 : memref<1x32x512xf32, #tpu.memory_space<hbm>> -> memref<32x512xf32, #tpu.memory_space<hbm>>
      %dma_wait3A_693 = tpu.memref_slice %arg8[%select_n3A_642] : memref<4x!tpu.dma_semaphore, #tpu.memory_space<semaphore_mem>> -> memref<1x!tpu.dma_semaphore, #tpu.memory_space<semaphore_mem>>
      %dma_wait3A_694 = tpu.memref_squeeze %dma_wait3A_693 : memref<1x!tpu.dma_semaphore, #tpu.memory_space<semaphore_mem>> -> memref<!tpu.dma_semaphore, #tpu.memory_space<semaphore_mem>>
      %dma_wait3A_695 = arith.constant 0 : i32
      %dma_wait3A_696 = tpu.memref_slice %arg4[%select_n3A_666, %add3A_685, %dma_wait3A_695] : memref<50x4096x512xf32, #tpu.memory_space<hbm>> -> memref<1x32x512xf32, #tpu.memory_space<hbm>>
      %dma_wait3A_697 = tpu.memref_squeeze %dma_wait3A_696 : memref<1x32x512xf32, #tpu.memory_space<hbm>> -> memref<32x512xf32, #tpu.memory_space<hbm>>
      %dma_wait3A_698 = arith.constant 0 : i32
      %dma_wait3A_699 = arith.constant 0 : i32
      %dma_wait3A_700 = tpu.memref_slice %arg6[%select_n3A_642, %dma_wait3A_698, %dma_wait3A_699] : memref<4x32x512xf32, #tpu.memory_space<vmem>> -> memref<1x32x512xf32, #tpu.memory_space<vmem>>
      %dma_wait3A_701 = tpu.memref_squeeze %dma_wait3A_700 : memref<1x32x512xf32, #tpu.memory_space<vmem>> -> memref<32x512xf32, #tpu.memory_space<vmem>>
      tpu.wait_dma2 semaphore(%dma_wait3A_694 : memref<!tpu.dma_semaphore, #tpu.memory_space<semaphore_mem>>) src(%dma_wait3A_701 : memref<32x512xf32, #tpu.memory_space<vmem>>) dst(%dma_wait3A_697 : memref<32x512xf32, #tpu.memory_space<hbm>>)
      %add3A_702 = arith.constant 3 : i32
      %add3A_703 = arith.addi %add3A_557, %add3A_702 : i32
      %add3A_704 = arith.constant 3 : i32
      %add3A_705 = arith.addi %add3A_557, %add3A_704 : i32
      %jit3A_706 = arith.constant 4 : i32
      %eq3A_707 = arith.constant 0 : i32
      %eq3A_708 = arith.cmpi eq, %jit3A_706, %eq3A_707 : i32
      %jit3A_709 = arith.constant 1 : i32
      %select_n3A_710 = arith.select %eq3A_708, %jit3A_709, %jit3A_706 : i32
      %rem3A_711 = arith.remsi %add3A_705, %select_n3A_710 : i32
      %ne3A_712 = arith.constant 0 : i32
      %ne3A_713 = arith.cmpi ne, %rem3A_711, %ne3A_712 : i32
      %lt3A_714 = arith.constant 0 : i32
      %lt3A_715 = arith.cmpi slt, %rem3A_711, %lt3A_714 : i32
      %lt3A_716 = arith.constant 0 : i32
      %lt3A_717 = arith.cmpi slt, %select_n3A_710, %lt3A_716 : i32
      %ne3A_718 = arith.xori %lt3A_715, %lt3A_717 : i1
      %and3A_719 = arith.andi %ne3A_718, %ne3A_713 : i1
      %add3A_720 = arith.addi %rem3A_711, %select_n3A_710 : i32
      %select_n3A_721 = arith.select %and3A_719, %add3A_720, %rem3A_711 : i32
      %mul3A_722 = arith.constant 32 : i32
      %mul3A_723 = arith.muli %add3A_703, %mul3A_722 : i32
      %dma_start3A_724 = arith.constant 0 : i32
      %dma_start3A_725 = arith.constant 0 : i32
      %dma_start3A_726 = tpu.memref_slice %arg6[%select_n3A_721, %dma_start3A_724, %dma_start3A_725] : memref<4x32x512xf32, #tpu.memory_space<vmem>> -> memref<1x32x512xf32, #tpu.memory_space<vmem>>
      %dma_start3A_727 = tpu.memref_squeeze %dma_start3A_726 : memref<1x32x512xf32, #tpu.memory_space<vmem>> -> memref<32x512xf32, #tpu.memory_space<vmem>>
      %dma_start3A_728 = tpu.memref_slice %arg5[%mul3A_723] : memref<7168xi32, #tpu.memory_space<vmem>> -> memref<32xi32, #tpu.memory_space<vmem>>
      %dma_start3A_729 = arith.constant 0 : i32
      %dma_start3A_730 = arith.constant 0 : i32
      %dma_start3A_731 = tpu.memref_slice %arg2[%dma_start3A_729, %dma_start3A_730] : memref<100000x512xf32, #tpu.memory_space<hbm>> -> memref<100000x512xf32, #tpu.memory_space<hbm>>
      %dma_start3A_732 = tpu.memref_slice %arg7[%select_n3A_721] : memref<4x!tpu.dma_semaphore, #tpu.memory_space<semaphore_mem>> -> memref<1x!tpu.dma_semaphore, #tpu.memory_space<semaphore_mem>>
      %dma_start3A_733 = tpu.memref_squeeze %dma_start3A_732 : memref<1x!tpu.dma_semaphore, #tpu.memory_space<semaphore_mem>> -> memref<!tpu.dma_semaphore, #tpu.memory_space<semaphore_mem>>
      tpu.enqueue_indirect_dma source(%dma_start3A_731 : memref<100000x512xf32, #tpu.memory_space<hbm>>) target(%dma_start3A_727 : memref<32x512xf32, #tpu.memory_space<vmem>>) offsets(%dma_start3A_728 : memref<32xi32, #tpu.memory_space<vmem>>) semaphore(%dma_start3A_733 : memref<!tpu.dma_semaphore, #tpu.memory_space<semaphore_mem>>)
      %mul3A_734 = arith.constant 4 : i32
      %mul3A_735 = arith.muli %add3A_553, %mul3A_734 : i32
      %add3A_736 = arith.constant 1 : i32
      %add3A_737 = arith.addi %mul3A_735, %add3A_736 : i32
      %mul3A_738 = arith.constant 32 : i32
      %mul3A_739 = arith.muli %add3A_737, %mul3A_738 : i32
      %dma_wait3A_740 = arith.constant 1 : i32
      %dma_wait3A_741 = arith.constant 1 : i32
      %dma_wait3A_742 = arith.constant 0 : i32
      %dma_wait3A_743 = arith.constant 0 : i32
      %dma_wait3A_744 = tpu.memref_slice %arg6[%dma_wait3A_740, %dma_wait3A_742, %dma_wait3A_743] : memref<4x32x512xf32, #tpu.memory_space<vmem>> -> memref<1x32x512xf32, #tpu.memory_space<vmem>>
      %dma_wait3A_745 = tpu.memref_squeeze %dma_wait3A_744 : memref<1x32x512xf32, #tpu.memory_space<vmem>> -> memref<32x512xf32, #tpu.memory_space<vmem>>
      %dma_wait3A_746 = tpu.memref_slice %arg5[%mul3A_739] : memref<7168xi32, #tpu.memory_space<vmem>> -> memref<32xi32, #tpu.memory_space<vmem>>
      %dma_wait3A_747 = arith.constant 0 : i32
      %dma_wait3A_748 = arith.constant 0 : i32
      %dma_wait3A_749 = tpu.memref_slice %arg2[%dma_wait3A_747, %dma_wait3A_748] : memref<100000x512xf32, #tpu.memory_space<hbm>> -> memref<100000x512xf32, #tpu.memory_space<hbm>>
      %dma_wait3A_750 = tpu.memref_slice %arg7[%dma_wait3A_741] : memref<4x!tpu.dma_semaphore, #tpu.memory_space<semaphore_mem>> -> memref<1x!tpu.dma_semaphore, #tpu.memory_space<semaphore_mem>>
      %dma_wait3A_751 = tpu.memref_squeeze %dma_wait3A_750 : memref<1x!tpu.dma_semaphore, #tpu.memory_space<semaphore_mem>> -> memref<!tpu.dma_semaphore, #tpu.memory_space<semaphore_mem>>
      tpu.wait_indirect_dma semaphore(%dma_wait3A_751 : memref<!tpu.dma_semaphore, #tpu.memory_space<semaphore_mem>>) src(%dma_wait3A_749 : memref<100000x512xf32, #tpu.memory_space<hbm>>) dst(%dma_wait3A_745 : memref<32x512xf32, #tpu.memory_space<vmem>>)
      %jit3A_752 = arith.constant 4 : i32
      %div3A_753 = arith.divsi %add3A_737, %jit3A_752 : i32
      %sign3A_754 = arith.constant 0 : i32
      %sign3A_755 = arith.cmpi sgt, %add3A_737, %sign3A_754 : i32
      %sign3A_756 = arith.extui %sign3A_755 : i1 to i32
      %sign3A_757 = arith.constant 0 : i32
      %sign3A_758 = arith.cmpi slt, %add3A_737, %sign3A_757 : i32
      %sign3A_759 = arith.extui %sign3A_758 : i1 to i32
      %sign3A_760 = arith.subi %sign3A_756, %sign3A_759 : i32
      %sign3A_761 = arith.constant 0 : i32
      %sign3A_762 = arith.cmpi sgt, %jit3A_752, %sign3A_761 : i32
      %sign3A_763 = arith.extui %sign3A_762 : i1 to i32
      %sign3A_764 = arith.constant 0 : i32
      %sign3A_765 = arith.cmpi slt, %jit3A_752, %sign3A_764 : i32
      %sign3A_766 = arith.extui %sign3A_765 : i1 to i32
      %sign3A_767 = arith.subi %sign3A_763, %sign3A_766 : i32
      %ne3A_768 = arith.cmpi ne, %sign3A_760, %sign3A_767 : i32
      %rem3A_769 = arith.remsi %add3A_737, %jit3A_752 : i32
      %ne3A_770 = arith.constant 0 : i32
      %ne3A_771 = arith.cmpi ne, %rem3A_769, %ne3A_770 : i32
      %and3A_772 = arith.andi %ne3A_768, %ne3A_771 : i1
      %sub3A_773 = arith.constant 1 : i32
      %sub3A_774 = arith.subi %div3A_753, %sub3A_773 : i32
      %select_n3A_775 = arith.select %and3A_772, %sub3A_774, %div3A_753 : i32
      %jit3A_776 = arith.constant 4 : i32
      %eq3A_777 = arith.constant 0 : i32
      %eq3A_778 = arith.cmpi eq, %jit3A_776, %eq3A_777 : i32
      %jit3A_779 = arith.constant 1 : i32
      %select_n3A_780 = arith.select %eq3A_778, %jit3A_779, %jit3A_776 : i32
      %rem3A_781 = arith.remsi %add3A_737, %select_n3A_780 : i32
      %ne3A_782 = arith.constant 0 : i32
      %ne3A_783 = arith.cmpi ne, %rem3A_781, %ne3A_782 : i32
      %lt3A_784 = arith.constant 0 : i32
      %lt3A_785 = arith.cmpi slt, %rem3A_781, %lt3A_784 : i32
      %lt3A_786 = arith.constant 0 : i32
      %lt3A_787 = arith.cmpi slt, %select_n3A_780, %lt3A_786 : i32
      %ne3A_788 = arith.xori %lt3A_785, %lt3A_787 : i1
      %and3A_789 = arith.andi %ne3A_788, %ne3A_783 : i1
      %add3A_790 = arith.addi %rem3A_781, %select_n3A_780 : i32
      %select_n3A_791 = arith.select %and3A_789, %add3A_790, %rem3A_781 : i32
      %mul3A_792 = arith.constant 32 : i32
      %mul3A_793 = arith.muli %select_n3A_791, %mul3A_792 : i32
      %add3A_794 = arith.addi %mul3A_2, %mul3A_793 : i32
      %dma_start3A_795 = arith.constant 1 : i32
      %dma_start3A_796 = arith.constant 1 : i32
      %dma_start3A_797 = arith.constant 0 : i32
      %dma_start3A_798 = arith.constant 0 : i32
      %dma_start3A_799 = tpu.memref_slice %arg6[%dma_start3A_795, %dma_start3A_797, %dma_start3A_798] : memref<4x32x512xf32, #tpu.memory_space<vmem>> -> memref<1x32x512xf32, #tpu.memory_space<vmem>>
      %dma_start3A_800 = tpu.memref_squeeze %dma_start3A_799 : memref<1x32x512xf32, #tpu.memory_space<vmem>> -> memref<32x512xf32, #tpu.memory_space<vmem>>
      %dma_start3A_801 = arith.constant 0 : i32
      %dma_start3A_802 = tpu.memref_slice %arg4[%select_n3A_775, %add3A_794, %dma_start3A_801] : memref<50x4096x512xf32, #tpu.memory_space<hbm>> -> memref<1x32x512xf32, #tpu.memory_space<hbm>>
      %dma_start3A_803 = tpu.memref_squeeze %dma_start3A_802 : memref<1x32x512xf32, #tpu.memory_space<hbm>> -> memref<32x512xf32, #tpu.memory_space<hbm>>
      %dma_start3A_804 = tpu.memref_slice %arg8[%dma_start3A_796] : memref<4x!tpu.dma_semaphore, #tpu.memory_space<semaphore_mem>> -> memref<1x!tpu.dma_semaphore, #tpu.memory_space<semaphore_mem>>
      %dma_start3A_805 = tpu.memref_squeeze %dma_start3A_804 : memref<1x!tpu.dma_semaphore, #tpu.memory_space<semaphore_mem>> -> memref<!tpu.dma_semaphore, #tpu.memory_space<semaphore_mem>>
      %dma_start3A_806 = arith.constant 0 : i32
      %dma_start3A_807 = tpu.memref_slice %arg4[%select_n3A_775, %add3A_794, %dma_start3A_806] : memref<50x4096x512xf32, #tpu.memory_space<hbm>> -> memref<1x32x512xf32, #tpu.memory_space<hbm>>
      %dma_start3A_808 = tpu.memref_squeeze %dma_start3A_807 : memref<1x32x512xf32, #tpu.memory_space<hbm>> -> memref<32x512xf32, #tpu.memory_space<hbm>>
      %dma_start3A_809 = arith.constant 0 : i32
      %dma_start3A_810 = arith.constant 0 : i32
      %dma_start3A_811 = tpu.memref_slice %arg6[%dma_start3A_795, %dma_start3A_809, %dma_start3A_810] : memref<4x32x512xf32, #tpu.memory_space<vmem>> -> memref<1x32x512xf32, #tpu.memory_space<vmem>>
      %dma_start3A_812 = tpu.memref_squeeze %dma_start3A_811 : memref<1x32x512xf32, #tpu.memory_space<vmem>> -> memref<32x512xf32, #tpu.memory_space<vmem>>
      tpu.enqueue_dma source(%dma_start3A_812 : memref<32x512xf32, #tpu.memory_space<vmem>>) target(%dma_start3A_808 : memref<32x512xf32, #tpu.memory_space<hbm>>) target_semaphore(%dma_start3A_805 : memref<!tpu.dma_semaphore, #tpu.memory_space<semaphore_mem>>)
      %sub3A_813 = arith.constant 1 : i32
      %sub3A_814 = arith.subi %add3A_737, %sub3A_813 : i32
      %sub3A_815 = arith.constant 1 : i32
      %sub3A_816 = arith.subi %add3A_737, %sub3A_815 : i32
      %jit3A_817 = arith.constant 4 : i32
      %eq3A_818 = arith.constant 0 : i32
      %eq3A_819 = arith.cmpi eq, %jit3A_817, %eq3A_818 : i32
      %jit3A_820 = arith.constant 1 : i32
      %select_n3A_821 = arith.select %eq3A_819, %jit3A_820, %jit3A_817 : i32
      %rem3A_822 = arith.remsi %sub3A_816, %select_n3A_821 : i32
      %ne3A_823 = arith.constant 0 : i32
      %ne3A_824 = arith.cmpi ne, %rem3A_822, %ne3A_823 : i32
      %lt3A_825 = arith.constant 0 : i32
      %lt3A_826 = arith.cmpi slt, %rem3A_822, %lt3A_825 : i32
      %lt3A_827 = arith.constant 0 : i32
      %lt3A_828 = arith.cmpi slt, %select_n3A_821, %lt3A_827 : i32
      %ne3A_829 = arith.xori %lt3A_826, %lt3A_828 : i1
      %and3A_830 = arith.andi %ne3A_829, %ne3A_824 : i1
      %add3A_831 = arith.addi %rem3A_822, %select_n3A_821 : i32
      %select_n3A_832 = arith.select %and3A_830, %add3A_831, %rem3A_822 : i32
      %jit3A_833 = arith.constant 4 : i32
      %div3A_834 = arith.divsi %sub3A_814, %jit3A_833 : i32
      %sign3A_835 = arith.constant 0 : i32
      %sign3A_836 = arith.cmpi sgt, %sub3A_814, %sign3A_835 : i32
      %sign3A_837 = arith.extui %sign3A_836 : i1 to i32
      %sign3A_838 = arith.constant 0 : i32
      %sign3A_839 = arith.cmpi slt, %sub3A_814, %sign3A_838 : i32
      %sign3A_840 = arith.extui %sign3A_839 : i1 to i32
      %sign3A_841 = arith.subi %sign3A_837, %sign3A_840 : i32
      %sign3A_842 = arith.constant 0 : i32
      %sign3A_843 = arith.cmpi sgt, %jit3A_833, %sign3A_842 : i32
      %sign3A_844 = arith.extui %sign3A_843 : i1 to i32
      %sign3A_845 = arith.constant 0 : i32
      %sign3A_846 = arith.cmpi slt, %jit3A_833, %sign3A_845 : i32
      %sign3A_847 = arith.extui %sign3A_846 : i1 to i32
      %sign3A_848 = arith.subi %sign3A_844, %sign3A_847 : i32
      %ne3A_849 = arith.cmpi ne, %sign3A_841, %sign3A_848 : i32
      %rem3A_850 = arith.remsi %sub3A_814, %jit3A_833 : i32
      %ne3A_851 = arith.constant 0 : i32
      %ne3A_852 = arith.cmpi ne, %rem3A_850, %ne3A_851 : i32
      %and3A_853 = arith.andi %ne3A_849, %ne3A_852 : i1
      %sub3A_854 = arith.constant 1 : i32
      %sub3A_855 = arith.subi %div3A_834, %sub3A_854 : i32
      %select_n3A_856 = arith.select %and3A_853, %sub3A_855, %div3A_834 : i32
      %jit3A_857 = arith.constant 4 : i32
      %eq3A_858 = arith.constant 0 : i32
      %eq3A_859 = arith.cmpi eq, %jit3A_857, %eq3A_858 : i32
      %jit3A_860 = arith.constant 1 : i32
      %select_n3A_861 = arith.select %eq3A_859, %jit3A_860, %jit3A_857 : i32
      %rem3A_862 = arith.remsi %sub3A_814, %select_n3A_861 : i32
      %ne3A_863 = arith.constant 0 : i32
      %ne3A_864 = arith.cmpi ne, %rem3A_862, %ne3A_863 : i32
      %lt3A_865 = arith.constant 0 : i32
      %lt3A_866 = arith.cmpi slt, %rem3A_862, %lt3A_865 : i32
      %lt3A_867 = arith.constant 0 : i32
      %lt3A_868 = arith.cmpi slt, %select_n3A_861, %lt3A_867 : i32
      %ne3A_869 = arith.xori %lt3A_866, %lt3A_868 : i1
      %and3A_870 = arith.andi %ne3A_869, %ne3A_864 : i1
      %add3A_871 = arith.addi %rem3A_862, %select_n3A_861 : i32
      %select_n3A_872 = arith.select %and3A_870, %add3A_871, %rem3A_862 : i32
      %mul3A_873 = arith.constant 32 : i32
      %mul3A_874 = arith.muli %select_n3A_872, %mul3A_873 : i32
      %add3A_875 = arith.addi %mul3A_2, %mul3A_874 : i32
      %dma_wait3A_876 = arith.constant 0 : i32
      %dma_wait3A_877 = arith.constant 0 : i32
      %dma_wait3A_878 = tpu.memref_slice %arg6[%select_n3A_832, %dma_wait3A_876, %dma_wait3A_877] : memref<4x32x512xf32, #tpu.memory_space<vmem>> -> memref<1x32x512xf32, #tpu.memory_space<vmem>>
      %dma_wait3A_879 = tpu.memref_squeeze %dma_wait3A_878 : memref<1x32x512xf32, #tpu.memory_space<vmem>> -> memref<32x512xf32, #tpu.memory_space<vmem>>
      %dma_wait3A_880 = arith.constant 0 : i32
      %dma_wait3A_881 = tpu.memref_slice %arg4[%select_n3A_856, %add3A_875, %dma_wait3A_880] : memref<50x4096x512xf32, #tpu.memory_space<hbm>> -> memref<1x32x512xf32, #tpu.memory_space<hbm>>
      %dma_wait3A_882 = tpu.memref_squeeze %dma_wait3A_881 : memref<1x32x512xf32, #tpu.memory_space<hbm>> -> memref<32x512xf32, #tpu.memory_space<hbm>>
      %dma_wait3A_883 = tpu.memref_slice %arg8[%select_n3A_832] : memref<4x!tpu.dma_semaphore, #tpu.memory_space<semaphore_mem>> -> memref<1x!tpu.dma_semaphore, #tpu.memory_space<semaphore_mem>>
      %dma_wait3A_884 = tpu.memref_squeeze %dma_wait3A_883 : memref<1x!tpu.dma_semaphore, #tpu.memory_space<semaphore_mem>> -> memref<!tpu.dma_semaphore, #tpu.memory_space<semaphore_mem>>
      %dma_wait3A_885 = arith.constant 0 : i32
      %dma_wait3A_886 = tpu.memref_slice %arg4[%select_n3A_856, %add3A_875, %dma_wait3A_885] : memref<50x4096x512xf32, #tpu.memory_space<hbm>> -> memref<1x32x512xf32, #tpu.memory_space<hbm>>
      %dma_wait3A_887 = tpu.memref_squeeze %dma_wait3A_886 : memref<1x32x512xf32, #tpu.memory_space<hbm>> -> memref<32x512xf32, #tpu.memory_space<hbm>>
      %dma_wait3A_888 = arith.constant 0 : i32
      %dma_wait3A_889 = arith.constant 0 : i32
      %dma_wait3A_890 = tpu.memref_slice %arg6[%select_n3A_832, %dma_wait3A_888, %dma_wait3A_889] : memref<4x32x512xf32, #tpu.memory_space<vmem>> -> memref<1x32x512xf32, #tpu.memory_space<vmem>>
      %dma_wait3A_891 = tpu.memref_squeeze %dma_wait3A_890 : memref<1x32x512xf32, #tpu.memory_space<vmem>> -> memref<32x512xf32, #tpu.memory_space<vmem>>
      tpu.wait_dma2 semaphore(%dma_wait3A_884 : memref<!tpu.dma_semaphore, #tpu.memory_space<semaphore_mem>>) src(%dma_wait3A_891 : memref<32x512xf32, #tpu.memory_space<vmem>>) dst(%dma_wait3A_887 : memref<32x512xf32, #tpu.memory_space<hbm>>)
      %add3A_892 = arith.constant 3 : i32
      %add3A_893 = arith.addi %add3A_737, %add3A_892 : i32
      %add3A_894 = arith.constant 3 : i32
      %add3A_895 = arith.addi %add3A_737, %add3A_894 : i32
      %jit3A_896 = arith.constant 4 : i32
      %eq3A_897 = arith.constant 0 : i32
      %eq3A_898 = arith.cmpi eq, %jit3A_896, %eq3A_897 : i32
      %jit3A_899 = arith.constant 1 : i32
      %select_n3A_900 = arith.select %eq3A_898, %jit3A_899, %jit3A_896 : i32
      %rem3A_901 = arith.remsi %add3A_895, %select_n3A_900 : i32
      %ne3A_902 = arith.constant 0 : i32
      %ne3A_903 = arith.cmpi ne, %rem3A_901, %ne3A_902 : i32
      %lt3A_904 = arith.constant 0 : i32
      %lt3A_905 = arith.cmpi slt, %rem3A_901, %lt3A_904 : i32
      %lt3A_906 = arith.constant 0 : i32
      %lt3A_907 = arith.cmpi slt, %select_n3A_900, %lt3A_906 : i32
      %ne3A_908 = arith.xori %lt3A_905, %lt3A_907 : i1
      %and3A_909 = arith.andi %ne3A_908, %ne3A_903 : i1
      %add3A_910 = arith.addi %rem3A_901, %select_n3A_900 : i32
      %select_n3A_911 = arith.select %and3A_909, %add3A_910, %rem3A_901 : i32
      %mul3A_912 = arith.constant 32 : i32
      %mul3A_913 = arith.muli %add3A_893, %mul3A_912 : i32
      %dma_start3A_914 = arith.constant 0 : i32
      %dma_start3A_915 = arith.constant 0 : i32
      %dma_start3A_916 = tpu.memref_slice %arg6[%select_n3A_911, %dma_start3A_914, %dma_start3A_915] : memref<4x32x512xf32, #tpu.memory_space<vmem>> -> memref<1x32x512xf32, #tpu.memory_space<vmem>>
      %dma_start3A_917 = tpu.memref_squeeze %dma_start3A_916 : memref<1x32x512xf32, #tpu.memory_space<vmem>> -> memref<32x512xf32, #tpu.memory_space<vmem>>
      %dma_start3A_918 = tpu.memref_slice %arg5[%mul3A_913] : memref<7168xi32, #tpu.memory_space<vmem>> -> memref<32xi32, #tpu.memory_space<vmem>>
      %dma_start3A_919 = arith.constant 0 : i32
      %dma_start3A_920 = arith.constant 0 : i32
      %dma_start3A_921 = tpu.memref_slice %arg2[%dma_start3A_919, %dma_start3A_920] : memref<100000x512xf32, #tpu.memory_space<hbm>> -> memref<100000x512xf32, #tpu.memory_space<hbm>>
      %dma_start3A_922 = tpu.memref_slice %arg7[%select_n3A_911] : memref<4x!tpu.dma_semaphore, #tpu.memory_space<semaphore_mem>> -> memref<1x!tpu.dma_semaphore, #tpu.memory_space<semaphore_mem>>
      %dma_start3A_923 = tpu.memref_squeeze %dma_start3A_922 : memref<1x!tpu.dma_semaphore, #tpu.memory_space<semaphore_mem>> -> memref<!tpu.dma_semaphore, #tpu.memory_space<semaphore_mem>>
      tpu.enqueue_indirect_dma source(%dma_start3A_921 : memref<100000x512xf32, #tpu.memory_space<hbm>>) target(%dma_start3A_917 : memref<32x512xf32, #tpu.memory_space<vmem>>) offsets(%dma_start3A_918 : memref<32xi32, #tpu.memory_space<vmem>>) semaphore(%dma_start3A_923 : memref<!tpu.dma_semaphore, #tpu.memory_space<semaphore_mem>>)
      %mul3A_924 = arith.constant 4 : i32
      %mul3A_925 = arith.muli %add3A_553, %mul3A_924 : i32
      %add3A_926 = arith.constant 2 : i32
      %add3A_927 = arith.addi %mul3A_925, %add3A_926 : i32
      %mul3A_928 = arith.constant 32 : i32
      %mul3A_929 = arith.muli %add3A_927, %mul3A_928 : i32
      %dma_wait3A_930 = arith.constant 2 : i32
      %dma_wait3A_931 = arith.constant 2 : i32
      %dma_wait3A_932 = arith.constant 0 : i32
      %dma_wait3A_933 = arith.constant 0 : i32
      %dma_wait3A_934 = tpu.memref_slice %arg6[%dma_wait3A_930, %dma_wait3A_932, %dma_wait3A_933] : memref<4x32x512xf32, #tpu.memory_space<vmem>> -> memref<1x32x512xf32, #tpu.memory_space<vmem>>
      %dma_wait3A_935 = tpu.memref_squeeze %dma_wait3A_934 : memref<1x32x512xf32, #tpu.memory_space<vmem>> -> memref<32x512xf32, #tpu.memory_space<vmem>>
      %dma_wait3A_936 = tpu.memref_slice %arg5[%mul3A_929] : memref<7168xi32, #tpu.memory_space<vmem>> -> memref<32xi32, #tpu.memory_space<vmem>>
      %dma_wait3A_937 = arith.constant 0 : i32
      %dma_wait3A_938 = arith.constant 0 : i32
      %dma_wait3A_939 = tpu.memref_slice %arg2[%dma_wait3A_937, %dma_wait3A_938] : memref<100000x512xf32, #tpu.memory_space<hbm>> -> memref<100000x512xf32, #tpu.memory_space<hbm>>
      %dma_wait3A_940 = tpu.memref_slice %arg7[%dma_wait3A_931] : memref<4x!tpu.dma_semaphore, #tpu.memory_space<semaphore_mem>> -> memref<1x!tpu.dma_semaphore, #tpu.memory_space<semaphore_mem>>
      %dma_wait3A_941 = tpu.memref_squeeze %dma_wait3A_940 : memref<1x!tpu.dma_semaphore, #tpu.memory_space<semaphore_mem>> -> memref<!tpu.dma_semaphore, #tpu.memory_space<semaphore_mem>>
      tpu.wait_indirect_dma semaphore(%dma_wait3A_941 : memref<!tpu.dma_semaphore, #tpu.memory_space<semaphore_mem>>) src(%dma_wait3A_939 : memref<100000x512xf32, #tpu.memory_space<hbm>>) dst(%dma_wait3A_935 : memref<32x512xf32, #tpu.memory_space<vmem>>)
      %jit3A_942 = arith.constant 4 : i32
      %div3A_943 = arith.divsi %add3A_927, %jit3A_942 : i32
      %sign3A_944 = arith.constant 0 : i32
      %sign3A_945 = arith.cmpi sgt, %add3A_927, %sign3A_944 : i32
      %sign3A_946 = arith.extui %sign3A_945 : i1 to i32
      %sign3A_947 = arith.constant 0 : i32
      %sign3A_948 = arith.cmpi slt, %add3A_927, %sign3A_947 : i32
      %sign3A_949 = arith.extui %sign3A_948 : i1 to i32
      %sign3A_950 = arith.subi %sign3A_946, %sign3A_949 : i32
      %sign3A_951 = arith.constant 0 : i32
      %sign3A_952 = arith.cmpi sgt, %jit3A_942, %sign3A_951 : i32
      %sign3A_953 = arith.extui %sign3A_952 : i1 to i32
      %sign3A_954 = arith.constant 0 : i32
      %sign3A_955 = arith.cmpi slt, %jit3A_942, %sign3A_954 : i32
      %sign3A_956 = arith.extui %sign3A_955 : i1 to i32
      %sign3A_957 = arith.subi %sign3A_953, %sign3A_956 : i32
      %ne3A_958 = arith.cmpi ne, %sign3A_950, %sign3A_957 : i32
      %rem3A_959 = arith.remsi %add3A_927, %jit3A_942 : i32
      %ne3A_960 = arith.constant 0 : i32
      %ne3A_961 = arith.cmpi ne, %rem3A_959, %ne3A_960 : i32
      %and3A_962 = arith.andi %ne3A_958, %ne3A_961 : i1
      %sub3A_963 = arith.constant 1 : i32
      %sub3A_964 = arith.subi %div3A_943, %sub3A_963 : i32
      %select_n3A_965 = arith.select %and3A_962, %sub3A_964, %div3A_943 : i32
      %jit3A_966 = arith.constant 4 : i32
      %eq3A_967 = arith.constant 0 : i32
      %eq3A_968 = arith.cmpi eq, %jit3A_966, %eq3A_967 : i32
      %jit3A_969 = arith.constant 1 : i32
      %select_n3A_970 = arith.select %eq3A_968, %jit3A_969, %jit3A_966 : i32
      %rem3A_971 = arith.remsi %add3A_927, %select_n3A_970 : i32
      %ne3A_972 = arith.constant 0 : i32
      %ne3A_973 = arith.cmpi ne, %rem3A_971, %ne3A_972 : i32
      %lt3A_974 = arith.constant 0 : i32
      %lt3A_975 = arith.cmpi slt, %rem3A_971, %lt3A_974 : i32
      %lt3A_976 = arith.constant 0 : i32
      %lt3A_977 = arith.cmpi slt, %select_n3A_970, %lt3A_976 : i32
      %ne3A_978 = arith.xori %lt3A_975, %lt3A_977 : i1
      %and3A_979 = arith.andi %ne3A_978, %ne3A_973 : i1
      %add3A_980 = arith.addi %rem3A_971, %select_n3A_970 : i32
      %select_n3A_981 = arith.select %and3A_979, %add3A_980, %rem3A_971 : i32
      %mul3A_982 = arith.constant 32 : i32
      %mul3A_983 = arith.muli %select_n3A_981, %mul3A_982 : i32
      %add3A_984 = arith.addi %mul3A_2, %mul3A_983 : i32
      %dma_start3A_985 = arith.constant 2 : i32
      %dma_start3A_986 = arith.constant 2 : i32
      %dma_start3A_987 = arith.constant 0 : i32
      %dma_start3A_988 = arith.constant 0 : i32
      %dma_start3A_989 = tpu.memref_slice %arg6[%dma_start3A_985, %dma_start3A_987, %dma_start3A_988] : memref<4x32x512xf32, #tpu.memory_space<vmem>> -> memref<1x32x512xf32, #tpu.memory_space<vmem>>
      %dma_start3A_990 = tpu.memref_squeeze %dma_start3A_989 : memref<1x32x512xf32, #tpu.memory_space<vmem>> -> memref<32x512xf32, #tpu.memory_space<vmem>>
      %dma_start3A_991 = arith.constant 0 : i32
      %dma_start3A_992 = tpu.memref_slice %arg4[%select_n3A_965, %add3A_984, %dma_start3A_991] : memref<50x4096x512xf32, #tpu.memory_space<hbm>> -> memref<1x32x512xf32, #tpu.memory_space<hbm>>
      %dma_start3A_993 = tpu.memref_squeeze %dma_start3A_992 : memref<1x32x512xf32, #tpu.memory_space<hbm>> -> memref<32x512xf32, #tpu.memory_space<hbm>>
      %dma_start3A_994 = tpu.memref_slice %arg8[%dma_start3A_986] : memref<4x!tpu.dma_semaphore, #tpu.memory_space<semaphore_mem>> -> memref<1x!tpu.dma_semaphore, #tpu.memory_space<semaphore_mem>>
      %dma_start3A_995 = tpu.memref_squeeze %dma_start3A_994 : memref<1x!tpu.dma_semaphore, #tpu.memory_space<semaphore_mem>> -> memref<!tpu.dma_semaphore, #tpu.memory_space<semaphore_mem>>
      %dma_start3A_996 = arith.constant 0 : i32
      %dma_start3A_997 = tpu.memref_slice %arg4[%select_n3A_965, %add3A_984, %dma_start3A_996] : memref<50x4096x512xf32, #tpu.memory_space<hbm>> -> memref<1x32x512xf32, #tpu.memory_space<hbm>>
      %dma_start3A_998 = tpu.memref_squeeze %dma_start3A_997 : memref<1x32x512xf32, #tpu.memory_space<hbm>> -> memref<32x512xf32, #tpu.memory_space<hbm>>
      %dma_start3A_999 = arith.constant 0 : i32
      %dma_start3A_1000 = arith.constant 0 : i32
      %dma_start3A_1001 = tpu.memref_slice %arg6[%dma_start3A_985, %dma_start3A_999, %dma_start3A_1000] : memref<4x32x512xf32, #tpu.memory_space<vmem>> -> memref<1x32x512xf32, #tpu.memory_space<vmem>>
      %dma_start3A_1002 = tpu.memref_squeeze %dma_start3A_1001 : memref<1x32x512xf32, #tpu.memory_space<vmem>> -> memref<32x512xf32, #tpu.memory_space<vmem>>
      tpu.enqueue_dma source(%dma_start3A_1002 : memref<32x512xf32, #tpu.memory_space<vmem>>) target(%dma_start3A_998 : memref<32x512xf32, #tpu.memory_space<hbm>>) target_semaphore(%dma_start3A_995 : memref<!tpu.dma_semaphore, #tpu.memory_space<semaphore_mem>>)
      %sub3A_1003 = arith.constant 1 : i32
      %sub3A_1004 = arith.subi %add3A_927, %sub3A_1003 : i32
      %sub3A_1005 = arith.constant 1 : i32
      %sub3A_1006 = arith.subi %add3A_927, %sub3A_1005 : i32
      %jit3A_1007 = arith.constant 4 : i32
      %eq3A_1008 = arith.constant 0 : i32
      %eq3A_1009 = arith.cmpi eq, %jit3A_1007, %eq3A_1008 : i32
      %jit3A_1010 = arith.constant 1 : i32
      %select_n3A_1011 = arith.select %eq3A_1009, %jit3A_1010, %jit3A_1007 : i32
      %rem3A_1012 = arith.remsi %sub3A_1006, %select_n3A_1011 : i32
      %ne3A_1013 = arith.constant 0 : i32
      %ne3A_1014 = arith.cmpi ne, %rem3A_1012, %ne3A_1013 : i32
      %lt3A_1015 = arith.constant 0 : i32
      %lt3A_1016 = arith.cmpi slt, %rem3A_1012, %lt3A_1015 : i32
      %lt3A_1017 = arith.constant 0 : i32
      %lt3A_1018 = arith.cmpi slt, %select_n3A_1011, %lt3A_1017 : i32
      %ne3A_1019 = arith.xori %lt3A_1016, %lt3A_1018 : i1
      %and3A_1020 = arith.andi %ne3A_1019, %ne3A_1014 : i1
      %add3A_1021 = arith.addi %rem3A_1012, %select_n3A_1011 : i32
      %select_n3A_1022 = arith.select %and3A_1020, %add3A_1021, %rem3A_1012 : i32
      %jit3A_1023 = arith.constant 4 : i32
      %div3A_1024 = arith.divsi %sub3A_1004, %jit3A_1023 : i32
      %sign3A_1025 = arith.constant 0 : i32
      %sign3A_1026 = arith.cmpi sgt, %sub3A_1004, %sign3A_1025 : i32
      %sign3A_1027 = arith.extui %sign3A_1026 : i1 to i32
      %sign3A_1028 = arith.constant 0 : i32
      %sign3A_1029 = arith.cmpi slt, %sub3A_1004, %sign3A_1028 : i32
      %sign3A_1030 = arith.extui %sign3A_1029 : i1 to i32
      %sign3A_1031 = arith.subi %sign3A_1027, %sign3A_1030 : i32
      %sign3A_1032 = arith.constant 0 : i32
      %sign3A_1033 = arith.cmpi sgt, %jit3A_1023, %sign3A_1032 : i32
      %sign3A_1034 = arith.extui %sign3A_1033 : i1 to i32
      %sign3A_1035 = arith.constant 0 : i32
      %sign3A_1036 = arith.cmpi slt, %jit3A_1023, %sign3A_1035 : i32
      %sign3A_1037 = arith.extui %sign3A_1036 : i1 to i32
      %sign3A_1038 = arith.subi %sign3A_1034, %sign3A_1037 : i32
      %ne3A_1039 = arith.cmpi ne, %sign3A_1031, %sign3A_1038 : i32
      %rem3A_1040 = arith.remsi %sub3A_1004, %jit3A_1023 : i32
      %ne3A_1041 = arith.constant 0 : i32
      %ne3A_1042 = arith.cmpi ne, %rem3A_1040, %ne3A_1041 : i32
      %and3A_1043 = arith.andi %ne3A_1039, %ne3A_1042 : i1
      %sub3A_1044 = arith.constant 1 : i32
      %sub3A_1045 = arith.subi %div3A_1024, %sub3A_1044 : i32
      %select_n3A_1046 = arith.select %and3A_1043, %sub3A_1045, %div3A_1024 : i32
      %jit3A_1047 = arith.constant 4 : i32
      %eq3A_1048 = arith.constant 0 : i32
      %eq3A_1049 = arith.cmpi eq, %jit3A_1047, %eq3A_1048 : i32
      %jit3A_1050 = arith.constant 1 : i32
      %select_n3A_1051 = arith.select %eq3A_1049, %jit3A_1050, %jit3A_1047 : i32
      %rem3A_1052 = arith.remsi %sub3A_1004, %select_n3A_1051 : i32
      %ne3A_1053 = arith.constant 0 : i32
      %ne3A_1054 = arith.cmpi ne, %rem3A_1052, %ne3A_1053 : i32
      %lt3A_1055 = arith.constant 0 : i32
      %lt3A_1056 = arith.cmpi slt, %rem3A_1052, %lt3A_1055 : i32
      %lt3A_1057 = arith.constant 0 : i32
      %lt3A_1058 = arith.cmpi slt, %select_n3A_1051, %lt3A_1057 : i32
      %ne3A_1059 = arith.xori %lt3A_1056, %lt3A_1058 : i1
      %and3A_1060 = arith.andi %ne3A_1059, %ne3A_1054 : i1
      %add3A_1061 = arith.addi %rem3A_1052, %select_n3A_1051 : i32
      %select_n3A_1062 = arith.select %and3A_1060, %add3A_1061, %rem3A_1052 : i32
      %mul3A_1063 = arith.constant 32 : i32
      %mul3A_1064 = arith.muli %select_n3A_1062, %mul3A_1063 : i32
      %add3A_1065 = arith.addi %mul3A_2, %mul3A_1064 : i32
      %dma_wait3A_1066 = arith.constant 0 : i32
      %dma_wait3A_1067 = arith.constant 0 : i32
      %dma_wait3A_1068 = tpu.memref_slice %arg6[%select_n3A_1022, %dma_wait3A_1066, %dma_wait3A_1067] : memref<4x32x512xf32, #tpu.memory_space<vmem>> -> memref<1x32x512xf32, #tpu.memory_space<vmem>>
      %dma_wait3A_1069 = tpu.memref_squeeze %dma_wait3A_1068 : memref<1x32x512xf32, #tpu.memory_space<vmem>> -> memref<32x512xf32, #tpu.memory_space<vmem>>
      %dma_wait3A_1070 = arith.constant 0 : i32
      %dma_wait3A_1071 = tpu.memref_slice %arg4[%select_n3A_1046, %add3A_1065, %dma_wait3A_1070] : memref<50x4096x512xf32, #tpu.memory_space<hbm>> -> memref<1x32x512xf32, #tpu.memory_space<hbm>>
      %dma_wait3A_1072 = tpu.memref_squeeze %dma_wait3A_1071 : memref<1x32x512xf32, #tpu.memory_space<hbm>> -> memref<32x512xf32, #tpu.memory_space<hbm>>
      %dma_wait3A_1073 = tpu.memref_slice %arg8[%select_n3A_1022] : memref<4x!tpu.dma_semaphore, #tpu.memory_space<semaphore_mem>> -> memref<1x!tpu.dma_semaphore, #tpu.memory_space<semaphore_mem>>
      %dma_wait3A_1074 = tpu.memref_squeeze %dma_wait3A_1073 : memref<1x!tpu.dma_semaphore, #tpu.memory_space<semaphore_mem>> -> memref<!tpu.dma_semaphore, #tpu.memory_space<semaphore_mem>>
      %dma_wait3A_1075 = arith.constant 0 : i32
      %dma_wait3A_1076 = tpu.memref_slice %arg4[%select_n3A_1046, %add3A_1065, %dma_wait3A_1075] : memref<50x4096x512xf32, #tpu.memory_space<hbm>> -> memref<1x32x512xf32, #tpu.memory_space<hbm>>
      %dma_wait3A_1077 = tpu.memref_squeeze %dma_wait3A_1076 : memref<1x32x512xf32, #tpu.memory_space<hbm>> -> memref<32x512xf32, #tpu.memory_space<hbm>>
      %dma_wait3A_1078 = arith.constant 0 : i32
      %dma_wait3A_1079 = arith.constant 0 : i32
      %dma_wait3A_1080 = tpu.memref_slice %arg6[%select_n3A_1022, %dma_wait3A_1078, %dma_wait3A_1079] : memref<4x32x512xf32, #tpu.memory_space<vmem>> -> memref<1x32x512xf32, #tpu.memory_space<vmem>>
      %dma_wait3A_1081 = tpu.memref_squeeze %dma_wait3A_1080 : memref<1x32x512xf32, #tpu.memory_space<vmem>> -> memref<32x512xf32, #tpu.memory_space<vmem>>
      tpu.wait_dma2 semaphore(%dma_wait3A_1074 : memref<!tpu.dma_semaphore, #tpu.memory_space<semaphore_mem>>) src(%dma_wait3A_1081 : memref<32x512xf32, #tpu.memory_space<vmem>>) dst(%dma_wait3A_1077 : memref<32x512xf32, #tpu.memory_space<hbm>>)
      %add3A_1082 = arith.constant 3 : i32
      %add3A_1083 = arith.addi %add3A_927, %add3A_1082 : i32
      %add3A_1084 = arith.constant 3 : i32
      %add3A_1085 = arith.addi %add3A_927, %add3A_1084 : i32
      %jit3A_1086 = arith.constant 4 : i32
      %eq3A_1087 = arith.constant 0 : i32
      %eq3A_1088 = arith.cmpi eq, %jit3A_1086, %eq3A_1087 : i32
      %jit3A_1089 = arith.constant 1 : i32
      %select_n3A_1090 = arith.select %eq3A_1088, %jit3A_1089, %jit3A_1086 : i32
      %rem3A_1091 = arith.remsi %add3A_1085, %select_n3A_1090 : i32
      %ne3A_1092 = arith.constant 0 : i32
      %ne3A_1093 = arith.cmpi ne, %rem3A_1091, %ne3A_1092 : i32
      %lt3A_1094 = arith.constant 0 : i32
      %lt3A_1095 = arith.cmpi slt, %rem3A_1091, %lt3A_1094 : i32
      %lt3A_1096 = arith.constant 0 : i32
      %lt3A_1097 = arith.cmpi slt, %select_n3A_1090, %lt3A_1096 : i32
      %ne3A_1098 = arith.xori %lt3A_1095, %lt3A_1097 : i1
      %and3A_1099 = arith.andi %ne3A_1098, %ne3A_1093 : i1
      %add3A_1100 = arith.addi %rem3A_1091, %select_n3A_1090 : i32
      %select_n3A_1101 = arith.select %and3A_1099, %add3A_1100, %rem3A_1091 : i32
      %mul3A_1102 = arith.constant 32 : i32
      %mul3A_1103 = arith.muli %add3A_1083, %mul3A_1102 : i32
      %dma_start3A_1104 = arith.constant 0 : i32
      %dma_start3A_1105 = arith.constant 0 : i32
      %dma_start3A_1106 = tpu.memref_slice %arg6[%select_n3A_1101, %dma_start3A_1104, %dma_start3A_1105] : memref<4x32x512xf32, #tpu.memory_space<vmem>> -> memref<1x32x512xf32, #tpu.memory_space<vmem>>
      %dma_start3A_1107 = tpu.memref_squeeze %dma_start3A_1106 : memref<1x32x512xf32, #tpu.memory_space<vmem>> -> memref<32x512xf32, #tpu.memory_space<vmem>>
      %dma_start3A_1108 = tpu.memref_slice %arg5[%mul3A_1103] : memref<7168xi32, #tpu.memory_space<vmem>> -> memref<32xi32, #tpu.memory_space<vmem>>
      %dma_start3A_1109 = arith.constant 0 : i32
      %dma_start3A_1110 = arith.constant 0 : i32
      %dma_start3A_1111 = tpu.memref_slice %arg2[%dma_start3A_1109, %dma_start3A_1110] : memref<100000x512xf32, #tpu.memory_space<hbm>> -> memref<100000x512xf32, #tpu.memory_space<hbm>>
      %dma_start3A_1112 = tpu.memref_slice %arg7[%select_n3A_1101] : memref<4x!tpu.dma_semaphore, #tpu.memory_space<semaphore_mem>> -> memref<1x!tpu.dma_semaphore, #tpu.memory_space<semaphore_mem>>
      %dma_start3A_1113 = tpu.memref_squeeze %dma_start3A_1112 : memref<1x!tpu.dma_semaphore, #tpu.memory_space<semaphore_mem>> -> memref<!tpu.dma_semaphore, #tpu.memory_space<semaphore_mem>>
      tpu.enqueue_indirect_dma source(%dma_start3A_1111 : memref<100000x512xf32, #tpu.memory_space<hbm>>) target(%dma_start3A_1107 : memref<32x512xf32, #tpu.memory_space<vmem>>) offsets(%dma_start3A_1108 : memref<32xi32, #tpu.memory_space<vmem>>) semaphore(%dma_start3A_1113 : memref<!tpu.dma_semaphore, #tpu.memory_space<semaphore_mem>>)
      %mul3A_1114 = arith.constant 4 : i32
      %mul3A_1115 = arith.muli %add3A_553, %mul3A_1114 : i32
      %add3A_1116 = arith.constant 3 : i32
      %add3A_1117 = arith.addi %mul3A_1115, %add3A_1116 : i32
      %mul3A_1118 = arith.constant 32 : i32
      %mul3A_1119 = arith.muli %add3A_1117, %mul3A_1118 : i32
      %dma_wait3A_1120 = arith.constant 3 : i32
      %dma_wait3A_1121 = arith.constant 3 : i32
      %dma_wait3A_1122 = arith.constant 0 : i32
      %dma_wait3A_1123 = arith.constant 0 : i32
      %dma_wait3A_1124 = tpu.memref_slice %arg6[%dma_wait3A_1120, %dma_wait3A_1122, %dma_wait3A_1123] : memref<4x32x512xf32, #tpu.memory_space<vmem>> -> memref<1x32x512xf32, #tpu.memory_space<vmem>>
      %dma_wait3A_1125 = tpu.memref_squeeze %dma_wait3A_1124 : memref<1x32x512xf32, #tpu.memory_space<vmem>> -> memref<32x512xf32, #tpu.memory_space<vmem>>
      %dma_wait3A_1126 = tpu.memref_slice %arg5[%mul3A_1119] : memref<7168xi32, #tpu.memory_space<vmem>> -> memref<32xi32, #tpu.memory_space<vmem>>
      %dma_wait3A_1127 = arith.constant 0 : i32
      %dma_wait3A_1128 = arith.constant 0 : i32
      %dma_wait3A_1129 = tpu.memref_slice %arg2[%dma_wait3A_1127, %dma_wait3A_1128] : memref<100000x512xf32, #tpu.memory_space<hbm>> -> memref<100000x512xf32, #tpu.memory_space<hbm>>
      %dma_wait3A_1130 = tpu.memref_slice %arg7[%dma_wait3A_1121] : memref<4x!tpu.dma_semaphore, #tpu.memory_space<semaphore_mem>> -> memref<1x!tpu.dma_semaphore, #tpu.memory_space<semaphore_mem>>
      %dma_wait3A_1131 = tpu.memref_squeeze %dma_wait3A_1130 : memref<1x!tpu.dma_semaphore, #tpu.memory_space<semaphore_mem>> -> memref<!tpu.dma_semaphore, #tpu.memory_space<semaphore_mem>>
      tpu.wait_indirect_dma semaphore(%dma_wait3A_1131 : memref<!tpu.dma_semaphore, #tpu.memory_space<semaphore_mem>>) src(%dma_wait3A_1129 : memref<100000x512xf32, #tpu.memory_space<hbm>>) dst(%dma_wait3A_1125 : memref<32x512xf32, #tpu.memory_space<vmem>>)
      %jit3A_1132 = arith.constant 4 : i32
      %div3A_1133 = arith.divsi %add3A_1117, %jit3A_1132 : i32
      %sign3A_1134 = arith.constant 0 : i32
      %sign3A_1135 = arith.cmpi sgt, %add3A_1117, %sign3A_1134 : i32
      %sign3A_1136 = arith.extui %sign3A_1135 : i1 to i32
      %sign3A_1137 = arith.constant 0 : i32
      %sign3A_1138 = arith.cmpi slt, %add3A_1117, %sign3A_1137 : i32
      %sign3A_1139 = arith.extui %sign3A_1138 : i1 to i32
      %sign3A_1140 = arith.subi %sign3A_1136, %sign3A_1139 : i32
      %sign3A_1141 = arith.constant 0 : i32
      %sign3A_1142 = arith.cmpi sgt, %jit3A_1132, %sign3A_1141 : i32
      %sign3A_1143 = arith.extui %sign3A_1142 : i1 to i32
      %sign3A_1144 = arith.constant 0 : i32
      %sign3A_1145 = arith.cmpi slt, %jit3A_1132, %sign3A_1144 : i32
      %sign3A_1146 = arith.extui %sign3A_1145 : i1 to i32
      %sign3A_1147 = arith.subi %sign3A_1143, %sign3A_1146 : i32
      %ne3A_1148 = arith.cmpi ne, %sign3A_1140, %sign3A_1147 : i32
      %rem3A_1149 = arith.remsi %add3A_1117, %jit3A_1132 : i32
      %ne3A_1150 = arith.constant 0 : i32
      %ne3A_1151 = arith.cmpi ne, %rem3A_1149, %ne3A_1150 : i32
      %and3A_1152 = arith.andi %ne3A_1148, %ne3A_1151 : i1
      %sub3A_1153 = arith.constant 1 : i32
      %sub3A_1154 = arith.subi %div3A_1133, %sub3A_1153 : i32
      %select_n3A_1155 = arith.select %and3A_1152, %sub3A_1154, %div3A_1133 : i32
      %jit3A_1156 = arith.constant 4 : i32
      %eq3A_1157 = arith.constant 0 : i32
      %eq3A_1158 = arith.cmpi eq, %jit3A_1156, %eq3A_1157 : i32
      %jit3A_1159 = arith.constant 1 : i32
      %select_n3A_1160 = arith.select %eq3A_1158, %jit3A_1159, %jit3A_1156 : i32
      %rem3A_1161 = arith.remsi %add3A_1117, %select_n3A_1160 : i32
      %ne3A_1162 = arith.constant 0 : i32
      %ne3A_1163 = arith.cmpi ne, %rem3A_1161, %ne3A_1162 : i32
      %lt3A_1164 = arith.constant 0 : i32
      %lt3A_1165 = arith.cmpi slt, %rem3A_1161, %lt3A_1164 : i32
      %lt3A_1166 = arith.constant 0 : i32
      %lt3A_1167 = arith.cmpi slt, %select_n3A_1160, %lt3A_1166 : i32
      %ne3A_1168 = arith.xori %lt3A_1165, %lt3A_1167 : i1
      %and3A_1169 = arith.andi %ne3A_1168, %ne3A_1163 : i1
      %add3A_1170 = arith.addi %rem3A_1161, %select_n3A_1160 : i32
      %select_n3A_1171 = arith.select %and3A_1169, %add3A_1170, %rem3A_1161 : i32
      %mul3A_1172 = arith.constant 32 : i32
      %mul3A_1173 = arith.muli %select_n3A_1171, %mul3A_1172 : i32
      %add3A_1174 = arith.addi %mul3A_2, %mul3A_1173 : i32
      %dma_start3A_1175 = arith.constant 3 : i32
      %dma_start3A_1176 = arith.constant 3 : i32
      %dma_start3A_1177 = arith.constant 0 : i32
      %dma_start3A_1178 = arith.constant 0 : i32
      %dma_start3A_1179 = tpu.memref_slice %arg6[%dma_start3A_1175, %dma_start3A_1177, %dma_start3A_1178] : memref<4x32x512xf32, #tpu.memory_space<vmem>> -> memref<1x32x512xf32, #tpu.memory_space<vmem>>
      %dma_start3A_1180 = tpu.memref_squeeze %dma_start3A_1179 : memref<1x32x512xf32, #tpu.memory_space<vmem>> -> memref<32x512xf32, #tpu.memory_space<vmem>>
      %dma_start3A_1181 = arith.constant 0 : i32
      %dma_start3A_1182 = tpu.memref_slice %arg4[%select_n3A_1155, %add3A_1174, %dma_start3A_1181] : memref<50x4096x512xf32, #tpu.memory_space<hbm>> -> memref<1x32x512xf32, #tpu.memory_space<hbm>>
      %dma_start3A_1183 = tpu.memref_squeeze %dma_start3A_1182 : memref<1x32x512xf32, #tpu.memory_space<hbm>> -> memref<32x512xf32, #tpu.memory_space<hbm>>
      %dma_start3A_1184 = tpu.memref_slice %arg8[%dma_start3A_1176] : memref<4x!tpu.dma_semaphore, #tpu.memory_space<semaphore_mem>> -> memref<1x!tpu.dma_semaphore, #tpu.memory_space<semaphore_mem>>
      %dma_start3A_1185 = tpu.memref_squeeze %dma_start3A_1184 : memref<1x!tpu.dma_semaphore, #tpu.memory_space<semaphore_mem>> -> memref<!tpu.dma_semaphore, #tpu.memory_space<semaphore_mem>>
      %dma_start3A_1186 = arith.constant 0 : i32
      %dma_start3A_1187 = tpu.memref_slice %arg4[%select_n3A_1155, %add3A_1174, %dma_start3A_1186] : memref<50x4096x512xf32, #tpu.memory_space<hbm>> -> memref<1x32x512xf32, #tpu.memory_space<hbm>>
      %dma_start3A_1188 = tpu.memref_squeeze %dma_start3A_1187 : memref<1x32x512xf32, #tpu.memory_space<hbm>> -> memref<32x512xf32, #tpu.memory_space<hbm>>
      %dma_start3A_1189 = arith.constant 0 : i32
      %dma_start3A_1190 = arith.constant 0 : i32
      %dma_start3A_1191 = tpu.memref_slice %arg6[%dma_start3A_1175, %dma_start3A_1189, %dma_start3A_1190] : memref<4x32x512xf32, #tpu.memory_space<vmem>> -> memref<1x32x512xf32, #tpu.memory_space<vmem>>
      %dma_start3A_1192 = tpu.memref_squeeze %dma_start3A_1191 : memref<1x32x512xf32, #tpu.memory_space<vmem>> -> memref<32x512xf32, #tpu.memory_space<vmem>>
      tpu.enqueue_dma source(%dma_start3A_1192 : memref<32x512xf32, #tpu.memory_space<vmem>>) target(%dma_start3A_1188 : memref<32x512xf32, #tpu.memory_space<hbm>>) target_semaphore(%dma_start3A_1185 : memref<!tpu.dma_semaphore, #tpu.memory_space<semaphore_mem>>)
      %sub3A_1193 = arith.constant 1 : i32
      %sub3A_1194 = arith.subi %add3A_1117, %sub3A_1193 : i32
      %sub3A_1195 = arith.constant 1 : i32
      %sub3A_1196 = arith.subi %add3A_1117, %sub3A_1195 : i32
      %jit3A_1197 = arith.constant 4 : i32
      %eq3A_1198 = arith.constant 0 : i32
      %eq3A_1199 = arith.cmpi eq, %jit3A_1197, %eq3A_1198 : i32
      %jit3A_1200 = arith.constant 1 : i32
      %select_n3A_1201 = arith.select %eq3A_1199, %jit3A_1200, %jit3A_1197 : i32
      %rem3A_1202 = arith.remsi %sub3A_1196, %select_n3A_1201 : i32
      %ne3A_1203 = arith.constant 0 : i32
      %ne3A_1204 = arith.cmpi ne, %rem3A_1202, %ne3A_1203 : i32
      %lt3A_1205 = arith.constant 0 : i32
      %lt3A_1206 = arith.cmpi slt, %rem3A_1202, %lt3A_1205 : i32
      %lt3A_1207 = arith.constant 0 : i32
      %lt3A_1208 = arith.cmpi slt, %select_n3A_1201, %lt3A_1207 : i32
      %ne3A_1209 = arith.xori %lt3A_1206, %lt3A_1208 : i1
      %and3A_1210 = arith.andi %ne3A_1209, %ne3A_1204 : i1
      %add3A_1211 = arith.addi %rem3A_1202, %select_n3A_1201 : i32
      %select_n3A_1212 = arith.select %and3A_1210, %add3A_1211, %rem3A_1202 : i32
      %jit3A_1213 = arith.constant 4 : i32
      %div3A_1214 = arith.divsi %sub3A_1194, %jit3A_1213 : i32
      %sign3A_1215 = arith.constant 0 : i32
      %sign3A_1216 = arith.cmpi sgt, %sub3A_1194, %sign3A_1215 : i32
      %sign3A_1217 = arith.extui %sign3A_1216 : i1 to i32
      %sign3A_1218 = arith.constant 0 : i32
      %sign3A_1219 = arith.cmpi slt, %sub3A_1194, %sign3A_1218 : i32
      %sign3A_1220 = arith.extui %sign3A_1219 : i1 to i32
      %sign3A_1221 = arith.subi %sign3A_1217, %sign3A_1220 : i32
      %sign3A_1222 = arith.constant 0 : i32
      %sign3A_1223 = arith.cmpi sgt, %jit3A_1213, %sign3A_1222 : i32
      %sign3A_1224 = arith.extui %sign3A_1223 : i1 to i32
      %sign3A_1225 = arith.constant 0 : i32
      %sign3A_1226 = arith.cmpi slt, %jit3A_1213, %sign3A_1225 : i32
      %sign3A_1227 = arith.extui %sign3A_1226 : i1 to i32
      %sign3A_1228 = arith.subi %sign3A_1224, %sign3A_1227 : i32
      %ne3A_1229 = arith.cmpi ne, %sign3A_1221, %sign3A_1228 : i32
      %rem3A_1230 = arith.remsi %sub3A_1194, %jit3A_1213 : i32
      %ne3A_1231 = arith.constant 0 : i32
      %ne3A_1232 = arith.cmpi ne, %rem3A_1230, %ne3A_1231 : i32
      %and3A_1233 = arith.andi %ne3A_1229, %ne3A_1232 : i1
      %sub3A_1234 = arith.constant 1 : i32
      %sub3A_1235 = arith.subi %div3A_1214, %sub3A_1234 : i32
      %select_n3A_1236 = arith.select %and3A_1233, %sub3A_1235, %div3A_1214 : i32
      %jit3A_1237 = arith.constant 4 : i32
      %eq3A_1238 = arith.constant 0 : i32
      %eq3A_1239 = arith.cmpi eq, %jit3A_1237, %eq3A_1238 : i32
      %jit3A_1240 = arith.constant 1 : i32
      %select_n3A_1241 = arith.select %eq3A_1239, %jit3A_1240, %jit3A_1237 : i32
      %rem3A_1242 = arith.remsi %sub3A_1194, %select_n3A_1241 : i32
      %ne3A_1243 = arith.constant 0 : i32
      %ne3A_1244 = arith.cmpi ne, %rem3A_1242, %ne3A_1243 : i32
      %lt3A_1245 = arith.constant 0 : i32
      %lt3A_1246 = arith.cmpi slt, %rem3A_1242, %lt3A_1245 : i32
      %lt3A_1247 = arith.constant 0 : i32
      %lt3A_1248 = arith.cmpi slt, %select_n3A_1241, %lt3A_1247 : i32
      %ne3A_1249 = arith.xori %lt3A_1246, %lt3A_1248 : i1
      %and3A_1250 = arith.andi %ne3A_1249, %ne3A_1244 : i1
      %add3A_1251 = arith.addi %rem3A_1242, %select_n3A_1241 : i32
      %select_n3A_1252 = arith.select %and3A_1250, %add3A_1251, %rem3A_1242 : i32
      %mul3A_1253 = arith.constant 32 : i32
      %mul3A_1254 = arith.muli %select_n3A_1252, %mul3A_1253 : i32
      %add3A_1255 = arith.addi %mul3A_2, %mul3A_1254 : i32
      %dma_wait3A_1256 = arith.constant 0 : i32
      %dma_wait3A_1257 = arith.constant 0 : i32
      %dma_wait3A_1258 = tpu.memref_slice %arg6[%select_n3A_1212, %dma_wait3A_1256, %dma_wait3A_1257] : memref<4x32x512xf32, #tpu.memory_space<vmem>> -> memref<1x32x512xf32, #tpu.memory_space<vmem>>
      %dma_wait3A_1259 = tpu.memref_squeeze %dma_wait3A_1258 : memref<1x32x512xf32, #tpu.memory_space<vmem>> -> memref<32x512xf32, #tpu.memory_space<vmem>>
      %dma_wait3A_1260 = arith.constant 0 : i32
      %dma_wait3A_1261 = tpu.memref_slice %arg4[%select_n3A_1236, %add3A_1255, %dma_wait3A_1260] : memref<50x4096x512xf32, #tpu.memory_space<hbm>> -> memref<1x32x512xf32, #tpu.memory_space<hbm>>
      %dma_wait3A_1262 = tpu.memref_squeeze %dma_wait3A_1261 : memref<1x32x512xf32, #tpu.memory_space<hbm>> -> memref<32x512xf32, #tpu.memory_space<hbm>>
      %dma_wait3A_1263 = tpu.memref_slice %arg8[%select_n3A_1212] : memref<4x!tpu.dma_semaphore, #tpu.memory_space<semaphore_mem>> -> memref<1x!tpu.dma_semaphore, #tpu.memory_space<semaphore_mem>>
      %dma_wait3A_1264 = tpu.memref_squeeze %dma_wait3A_1263 : memref<1x!tpu.dma_semaphore, #tpu.memory_space<semaphore_mem>> -> memref<!tpu.dma_semaphore, #tpu.memory_space<semaphore_mem>>
      %dma_wait3A_1265 = arith.constant 0 : i32
      %dma_wait3A_1266 = tpu.memref_slice %arg4[%select_n3A_1236, %add3A_1255, %dma_wait3A_1265] : memref<50x4096x512xf32, #tpu.memory_space<hbm>> -> memref<1x32x512xf32, #tpu.memory_space<hbm>>
      %dma_wait3A_1267 = tpu.memref_squeeze %dma_wait3A_1266 : memref<1x32x512xf32, #tpu.memory_space<hbm>> -> memref<32x512xf32, #tpu.memory_space<hbm>>
      %dma_wait3A_1268 = arith.constant 0 : i32
      %dma_wait3A_1269 = arith.constant 0 : i32
      %dma_wait3A_1270 = tpu.memref_slice %arg6[%select_n3A_1212, %dma_wait3A_1268, %dma_wait3A_1269] : memref<4x32x512xf32, #tpu.memory_space<vmem>> -> memref<1x32x512xf32, #tpu.memory_space<vmem>>
      %dma_wait3A_1271 = tpu.memref_squeeze %dma_wait3A_1270 : memref<1x32x512xf32, #tpu.memory_space<vmem>> -> memref<32x512xf32, #tpu.memory_space<vmem>>
      tpu.wait_dma2 semaphore(%dma_wait3A_1264 : memref<!tpu.dma_semaphore, #tpu.memory_space<semaphore_mem>>) src(%dma_wait3A_1271 : memref<32x512xf32, #tpu.memory_space<vmem>>) dst(%dma_wait3A_1267 : memref<32x512xf32, #tpu.memory_space<hbm>>)
      %add3A_1272 = arith.constant 3 : i32
      %add3A_1273 = arith.addi %add3A_1117, %add3A_1272 : i32
      %add3A_1274 = arith.constant 3 : i32
      %add3A_1275 = arith.addi %add3A_1117, %add3A_1274 : i32
      %jit3A_1276 = arith.constant 4 : i32
      %eq3A_1277 = arith.constant 0 : i32
      %eq3A_1278 = arith.cmpi eq, %jit3A_1276, %eq3A_1277 : i32
      %jit3A_1279 = arith.constant 1 : i32
      %select_n3A_1280 = arith.select %eq3A_1278, %jit3A_1279, %jit3A_1276 : i32
      %rem3A_1281 = arith.remsi %add3A_1275, %select_n3A_1280 : i32
      %ne3A_1282 = arith.constant 0 : i32
      %ne3A_1283 = arith.cmpi ne, %rem3A_1281, %ne3A_1282 : i32
      %lt3A_1284 = arith.constant 0 : i32
      %lt3A_1285 = arith.cmpi slt, %rem3A_1281, %lt3A_1284 : i32
      %lt3A_1286 = arith.constant 0 : i32
      %lt3A_1287 = arith.cmpi slt, %select_n3A_1280, %lt3A_1286 : i32
      %ne3A_1288 = arith.xori %lt3A_1285, %lt3A_1287 : i1
      %and3A_1289 = arith.andi %ne3A_1288, %ne3A_1283 : i1
      %add3A_1290 = arith.addi %rem3A_1281, %select_n3A_1280 : i32
      %select_n3A_1291 = arith.select %and3A_1289, %add3A_1290, %rem3A_1281 : i32
      %mul3A_1292 = arith.constant 32 : i32
      %mul3A_1293 = arith.muli %add3A_1273, %mul3A_1292 : i32
      %dma_start3A_1294 = arith.constant 0 : i32
      %dma_start3A_1295 = arith.constant 0 : i32
      %dma_start3A_1296 = tpu.memref_slice %arg6[%select_n3A_1291, %dma_start3A_1294, %dma_start3A_1295] : memref<4x32x512xf32, #tpu.memory_space<vmem>> -> memref<1x32x512xf32, #tpu.memory_space<vmem>>
      %dma_start3A_1297 = tpu.memref_squeeze %dma_start3A_1296 : memref<1x32x512xf32, #tpu.memory_space<vmem>> -> memref<32x512xf32, #tpu.memory_space<vmem>>
      %dma_start3A_1298 = tpu.memref_slice %arg5[%mul3A_1293] : memref<7168xi32, #tpu.memory_space<vmem>> -> memref<32xi32, #tpu.memory_space<vmem>>
      %dma_start3A_1299 = arith.constant 0 : i32
      %dma_start3A_1300 = arith.constant 0 : i32
      %dma_start3A_1301 = tpu.memref_slice %arg2[%dma_start3A_1299, %dma_start3A_1300] : memref<100000x512xf32, #tpu.memory_space<hbm>> -> memref<100000x512xf32, #tpu.memory_space<hbm>>
      %dma_start3A_1302 = tpu.memref_slice %arg7[%select_n3A_1291] : memref<4x!tpu.dma_semaphore, #tpu.memory_space<semaphore_mem>> -> memref<1x!tpu.dma_semaphore, #tpu.memory_space<semaphore_mem>>
      %dma_start3A_1303 = tpu.memref_squeeze %dma_start3A_1302 : memref<1x!tpu.dma_semaphore, #tpu.memory_space<semaphore_mem>> -> memref<!tpu.dma_semaphore, #tpu.memory_space<semaphore_mem>>
      tpu.enqueue_indirect_dma source(%dma_start3A_1301 : memref<100000x512xf32, #tpu.memory_space<hbm>>) target(%dma_start3A_1297 : memref<32x512xf32, #tpu.memory_space<vmem>>) offsets(%dma_start3A_1298 : memref<32xi32, #tpu.memory_space<vmem>>) semaphore(%dma_start3A_1303 : memref<!tpu.dma_semaphore, #tpu.memory_space<semaphore_mem>>)
    }
    %scan3A_294 = arith.constant 48 : i32
    %dma_wait3A_295 = arith.constant 0 : i32
    %dma_wait3A_296 = arith.constant 0 : i32
    %dma_wait3A_297 = arith.constant 0 : i32
    %dma_wait3A_298 = arith.constant 0 : i32
    %dma_wait3A_299 = tpu.memref_slice %arg6[%dma_wait3A_295, %dma_wait3A_297, %dma_wait3A_298] : memref<4x32x512xf32, #tpu.memory_space<vmem>> -> memref<1x32x512xf32, #tpu.memory_space<vmem>>
    %dma_wait3A_300 = tpu.memref_squeeze %dma_wait3A_299 : memref<1x32x512xf32, #tpu.memory_space<vmem>> -> memref<32x512xf32, #tpu.memory_space<vmem>>
    %dma_wait3A_301 = arith.constant 6272 : i32
    %dma_wait3A_302 = tpu.memref_slice %arg5[%dma_wait3A_301] : memref<7168xi32, #tpu.memory_space<vmem>> -> memref<32xi32, #tpu.memory_space<vmem>>
    %dma_wait3A_303 = arith.constant 0 : i32
    %dma_wait3A_304 = arith.constant 0 : i32
    %dma_wait3A_305 = tpu.memref_slice %arg2[%dma_wait3A_303, %dma_wait3A_304] : memref<100000x512xf32, #tpu.memory_space<hbm>> -> memref<100000x512xf32, #tpu.memory_space<hbm>>
    %dma_wait3A_306 = tpu.memref_slice %arg7[%dma_wait3A_296] : memref<4x!tpu.dma_semaphore, #tpu.memory_space<semaphore_mem>> -> memref<1x!tpu.dma_semaphore, #tpu.memory_space<semaphore_mem>>
    %dma_wait3A_307 = tpu.memref_squeeze %dma_wait3A_306 : memref<1x!tpu.dma_semaphore, #tpu.memory_space<semaphore_mem>> -> memref<!tpu.dma_semaphore, #tpu.memory_space<semaphore_mem>>
    tpu.wait_indirect_dma semaphore(%dma_wait3A_307 : memref<!tpu.dma_semaphore, #tpu.memory_space<semaphore_mem>>) src(%dma_wait3A_305 : memref<100000x512xf32, #tpu.memory_space<hbm>>) dst(%dma_wait3A_300 : memref<32x512xf32, #tpu.memory_space<vmem>>)
    %add3A_308 = arith.constant 0 : i32
    %add3A_309 = arith.addi %mul3A_2, %add3A_308 : i32
    %dma_start3A_310 = arith.constant 0 : i32
    %dma_start3A_311 = arith.constant 49 : i32
    %dma_start3A_312 = arith.constant 0 : i32
    %dma_start3A_313 = arith.constant 0 : i32
    %dma_start3A_314 = arith.constant 0 : i32
    %dma_start3A_315 = tpu.memref_slice %arg6[%dma_start3A_310, %dma_start3A_313, %dma_start3A_314] : memref<4x32x512xf32, #tpu.memory_space<vmem>> -> memref<1x32x512xf32, #tpu.memory_space<vmem>>
    %dma_start3A_316 = tpu.memref_squeeze %dma_start3A_315 : memref<1x32x512xf32, #tpu.memory_space<vmem>> -> memref<32x512xf32, #tpu.memory_space<vmem>>
    %dma_start3A_317 = arith.constant 0 : i32
    %dma_start3A_318 = tpu.memref_slice %arg4[%dma_start3A_311, %add3A_309, %dma_start3A_317] : memref<50x4096x512xf32, #tpu.memory_space<hbm>> -> memref<1x32x512xf32, #tpu.memory_space<hbm>>
    %dma_start3A_319 = tpu.memref_squeeze %dma_start3A_318 : memref<1x32x512xf32, #tpu.memory_space<hbm>> -> memref<32x512xf32, #tpu.memory_space<hbm>>
    %dma_start3A_320 = tpu.memref_slice %arg8[%dma_start3A_312] : memref<4x!tpu.dma_semaphore, #tpu.memory_space<semaphore_mem>> -> memref<1x!tpu.dma_semaphore, #tpu.memory_space<semaphore_mem>>
    %dma_start3A_321 = tpu.memref_squeeze %dma_start3A_320 : memref<1x!tpu.dma_semaphore, #tpu.memory_space<semaphore_mem>> -> memref<!tpu.dma_semaphore, #tpu.memory_space<semaphore_mem>>
    %dma_start3A_322 = arith.constant 0 : i32
    %dma_start3A_323 = tpu.memref_slice %arg4[%dma_start3A_311, %add3A_309, %dma_start3A_322] : memref<50x4096x512xf32, #tpu.memory_space<hbm>> -> memref<1x32x512xf32, #tpu.memory_space<hbm>>
    %dma_start3A_324 = tpu.memref_squeeze %dma_start3A_323 : memref<1x32x512xf32, #tpu.memory_space<hbm>> -> memref<32x512xf32, #tpu.memory_space<hbm>>
    %dma_start3A_325 = arith.constant 0 : i32
    %dma_start3A_326 = arith.constant 0 : i32
    %dma_start3A_327 = tpu.memref_slice %arg6[%dma_start3A_310, %dma_start3A_325, %dma_start3A_326] : memref<4x32x512xf32, #tpu.memory_space<vmem>> -> memref<1x32x512xf32, #tpu.memory_space<vmem>>
    %dma_start3A_328 = tpu.memref_squeeze %dma_start3A_327 : memref<1x32x512xf32, #tpu.memory_space<vmem>> -> memref<32x512xf32, #tpu.memory_space<vmem>>
    tpu.enqueue_dma source(%dma_start3A_328 : memref<32x512xf32, #tpu.memory_space<vmem>>) target(%dma_start3A_324 : memref<32x512xf32, #tpu.memory_space<hbm>>) target_semaphore(%dma_start3A_321 : memref<!tpu.dma_semaphore, #tpu.memory_space<semaphore_mem>>)
    %add3A_329 = arith.constant 96 : i32
    %add3A_330 = arith.addi %mul3A_2, %add3A_329 : i32
    %dma_wait3A_331 = arith.constant 3 : i32
    %dma_wait3A_332 = arith.constant 48 : i32
    %dma_wait3A_333 = arith.constant 3 : i32
    %dma_wait3A_334 = arith.constant 0 : i32
    %dma_wait3A_335 = arith.constant 0 : i32
    %dma_wait3A_336 = tpu.memref_slice %arg6[%dma_wait3A_331, %dma_wait3A_334, %dma_wait3A_335] : memref<4x32x512xf32, #tpu.memory_space<vmem>> -> memref<1x32x512xf32, #tpu.memory_space<vmem>>
    %dma_wait3A_337 = tpu.memref_squeeze %dma_wait3A_336 : memref<1x32x512xf32, #tpu.memory_space<vmem>> -> memref<32x512xf32, #tpu.memory_space<vmem>>
    %dma_wait3A_338 = arith.constant 0 : i32
    %dma_wait3A_339 = tpu.memref_slice %arg4[%dma_wait3A_332, %add3A_330, %dma_wait3A_338] : memref<50x4096x512xf32, #tpu.memory_space<hbm>> -> memref<1x32x512xf32, #tpu.memory_space<hbm>>
    %dma_wait3A_340 = tpu.memref_squeeze %dma_wait3A_339 : memref<1x32x512xf32, #tpu.memory_space<hbm>> -> memref<32x512xf32, #tpu.memory_space<hbm>>
    %dma_wait3A_341 = tpu.memref_slice %arg8[%dma_wait3A_333] : memref<4x!tpu.dma_semaphore, #tpu.memory_space<semaphore_mem>> -> memref<1x!tpu.dma_semaphore, #tpu.memory_space<semaphore_mem>>
    %dma_wait3A_342 = tpu.memref_squeeze %dma_wait3A_341 : memref<1x!tpu.dma_semaphore, #tpu.memory_space<semaphore_mem>> -> memref<!tpu.dma_semaphore, #tpu.memory_space<semaphore_mem>>
    %dma_wait3A_343 = arith.constant 0 : i32
    %dma_wait3A_344 = tpu.memref_slice %arg4[%dma_wait3A_332, %add3A_330, %dma_wait3A_343] : memref<50x4096x512xf32, #tpu.memory_space<hbm>> -> memref<1x32x512xf32, #tpu.memory_space<hbm>>
    %dma_wait3A_345 = tpu.memref_squeeze %dma_wait3A_344 : memref<1x32x512xf32, #tpu.memory_space<hbm>> -> memref<32x512xf32, #tpu.memory_space<hbm>>
    %dma_wait3A_346 = arith.constant 0 : i32
    %dma_wait3A_347 = arith.constant 0 : i32
    %dma_wait3A_348 = tpu.memref_slice %arg6[%dma_wait3A_331, %dma_wait3A_346, %dma_wait3A_347] : memref<4x32x512xf32, #tpu.memory_space<vmem>> -> memref<1x32x512xf32, #tpu.memory_space<vmem>>
    %dma_wait3A_349 = tpu.memref_squeeze %dma_wait3A_348 : memref<1x32x512xf32, #tpu.memory_space<vmem>> -> memref<32x512xf32, #tpu.memory_space<vmem>>
    tpu.wait_dma2 semaphore(%dma_wait3A_342 : memref<!tpu.dma_semaphore, #tpu.memory_space<semaphore_mem>>) src(%dma_wait3A_349 : memref<32x512xf32, #tpu.memory_space<vmem>>) dst(%dma_wait3A_345 : memref<32x512xf32, #tpu.memory_space<hbm>>)
    %dma_start3A_350 = arith.constant 3 : i32
    %dma_start3A_351 = arith.constant 3 : i32
    %dma_start3A_352 = arith.constant 0 : i32
    %dma_start3A_353 = arith.constant 0 : i32
    %dma_start3A_354 = tpu.memref_slice %arg6[%dma_start3A_350, %dma_start3A_352, %dma_start3A_353] : memref<4x32x512xf32, #tpu.memory_space<vmem>> -> memref<1x32x512xf32, #tpu.memory_space<vmem>>
    %dma_start3A_355 = tpu.memref_squeeze %dma_start3A_354 : memref<1x32x512xf32, #tpu.memory_space<vmem>> -> memref<32x512xf32, #tpu.memory_space<vmem>>
    %dma_start3A_356 = arith.constant 6368 : i32
    %dma_start3A_357 = tpu.memref_slice %arg5[%dma_start3A_356] : memref<7168xi32, #tpu.memory_space<vmem>> -> memref<32xi32, #tpu.memory_space<vmem>>
    %dma_start3A_358 = arith.constant 0 : i32
    %dma_start3A_359 = arith.constant 0 : i32
    %dma_start3A_360 = tpu.memref_slice %arg2[%dma_start3A_358, %dma_start3A_359] : memref<100000x512xf32, #tpu.memory_space<hbm>> -> memref<100000x512xf32, #tpu.memory_space<hbm>>
    %dma_start3A_361 = tpu.memref_slice %arg7[%dma_start3A_351] : memref<4x!tpu.dma_semaphore, #tpu.memory_space<semaphore_mem>> -> memref<1x!tpu.dma_semaphore, #tpu.memory_space<semaphore_mem>>
    %dma_start3A_362 = tpu.memref_squeeze %dma_start3A_361 : memref<1x!tpu.dma_semaphore, #tpu.memory_space<semaphore_mem>> -> memref<!tpu.dma_semaphore, #tpu.memory_space<semaphore_mem>>
    tpu.enqueue_indirect_dma source(%dma_start3A_360 : memref<100000x512xf32, #tpu.memory_space<hbm>>) target(%dma_start3A_355 : memref<32x512xf32, #tpu.memory_space<vmem>>) offsets(%dma_start3A_357 : memref<32xi32, #tpu.memory_space<vmem>>) semaphore(%dma_start3A_362 : memref<!tpu.dma_semaphore, #tpu.memory_space<semaphore_mem>>)
    %dma_wait3A_363 = arith.constant 1 : i32
    %dma_wait3A_364 = arith.constant 1 : i32
    %dma_wait3A_365 = arith.constant 0 : i32
    %dma_wait3A_366 = arith.constant 0 : i32
    %dma_wait3A_367 = tpu.memref_slice %arg6[%dma_wait3A_363, %dma_wait3A_365, %dma_wait3A_366] : memref<4x32x512xf32, #tpu.memory_space<vmem>> -> memref<1x32x512xf32, #tpu.memory_space<vmem>>
    %dma_wait3A_368 = tpu.memref_squeeze %dma_wait3A_367 : memref<1x32x512xf32, #tpu.memory_space<vmem>> -> memref<32x512xf32, #tpu.memory_space<vmem>>
    %dma_wait3A_369 = arith.constant 6304 : i32
    %dma_wait3A_370 = tpu.memref_slice %arg5[%dma_wait3A_369] : memref<7168xi32, #tpu.memory_space<vmem>> -> memref<32xi32, #tpu.memory_space<vmem>>
    %dma_wait3A_371 = arith.constant 0 : i32
    %dma_wait3A_372 = arith.constant 0 : i32
    %dma_wait3A_373 = tpu.memref_slice %arg2[%dma_wait3A_371, %dma_wait3A_372] : memref<100000x512xf32, #tpu.memory_space<hbm>> -> memref<100000x512xf32, #tpu.memory_space<hbm>>
    %dma_wait3A_374 = tpu.memref_slice %arg7[%dma_wait3A_364] : memref<4x!tpu.dma_semaphore, #tpu.memory_space<semaphore_mem>> -> memref<1x!tpu.dma_semaphore, #tpu.memory_space<semaphore_mem>>
    %dma_wait3A_375 = tpu.memref_squeeze %dma_wait3A_374 : memref<1x!tpu.dma_semaphore, #tpu.memory_space<semaphore_mem>> -> memref<!tpu.dma_semaphore, #tpu.memory_space<semaphore_mem>>
    tpu.wait_indirect_dma semaphore(%dma_wait3A_375 : memref<!tpu.dma_semaphore, #tpu.memory_space<semaphore_mem>>) src(%dma_wait3A_373 : memref<100000x512xf32, #tpu.memory_space<hbm>>) dst(%dma_wait3A_368 : memref<32x512xf32, #tpu.memory_space<vmem>>)
    %add3A_376 = arith.constant 32 : i32
    %add3A_377 = arith.addi %mul3A_2, %add3A_376 : i32
    %dma_start3A_378 = arith.constant 1 : i32
    %dma_start3A_379 = arith.constant 49 : i32
    %dma_start3A_380 = arith.constant 1 : i32
    %dma_start3A_381 = arith.constant 0 : i32
    %dma_start3A_382 = arith.constant 0 : i32
    %dma_start3A_383 = tpu.memref_slice %arg6[%dma_start3A_378, %dma_start3A_381, %dma_start3A_382] : memref<4x32x512xf32, #tpu.memory_space<vmem>> -> memref<1x32x512xf32, #tpu.memory_space<vmem>>
    %dma_start3A_384 = tpu.memref_squeeze %dma_start3A_383 : memref<1x32x512xf32, #tpu.memory_space<vmem>> -> memref<32x512xf32, #tpu.memory_space<vmem>>
    %dma_start3A_385 = arith.constant 0 : i32
    %dma_start3A_386 = tpu.memref_slice %arg4[%dma_start3A_379, %add3A_377, %dma_start3A_385] : memref<50x4096x512xf32, #tpu.memory_space<hbm>> -> memref<1x32x512xf32, #tpu.memory_space<hbm>>
    %dma_start3A_387 = tpu.memref_squeeze %dma_start3A_386 : memref<1x32x512xf32, #tpu.memory_space<hbm>> -> memref<32x512xf32, #tpu.memory_space<hbm>>
    %dma_start3A_388 = tpu.memref_slice %arg8[%dma_start3A_380] : memref<4x!tpu.dma_semaphore, #tpu.memory_space<semaphore_mem>> -> memref<1x!tpu.dma_semaphore, #tpu.memory_space<semaphore_mem>>
    %dma_start3A_389 = tpu.memref_squeeze %dma_start3A_388 : memref<1x!tpu.dma_semaphore, #tpu.memory_space<semaphore_mem>> -> memref<!tpu.dma_semaphore, #tpu.memory_space<semaphore_mem>>
    %dma_start3A_390 = arith.constant 0 : i32
    %dma_start3A_391 = tpu.memref_slice %arg4[%dma_start3A_379, %add3A_377, %dma_start3A_390] : memref<50x4096x512xf32, #tpu.memory_space<hbm>> -> memref<1x32x512xf32, #tpu.memory_space<hbm>>
    %dma_start3A_392 = tpu.memref_squeeze %dma_start3A_391 : memref<1x32x512xf32, #tpu.memory_space<hbm>> -> memref<32x512xf32, #tpu.memory_space<hbm>>
    %dma_start3A_393 = arith.constant 0 : i32
    %dma_start3A_394 = arith.constant 0 : i32
    %dma_start3A_395 = tpu.memref_slice %arg6[%dma_start3A_378, %dma_start3A_393, %dma_start3A_394] : memref<4x32x512xf32, #tpu.memory_space<vmem>> -> memref<1x32x512xf32, #tpu.memory_space<vmem>>
    %dma_start3A_396 = tpu.memref_squeeze %dma_start3A_395 : memref<1x32x512xf32, #tpu.memory_space<vmem>> -> memref<32x512xf32, #tpu.memory_space<vmem>>
    tpu.enqueue_dma source(%dma_start3A_396 : memref<32x512xf32, #tpu.memory_space<vmem>>) target(%dma_start3A_392 : memref<32x512xf32, #tpu.memory_space<hbm>>) target_semaphore(%dma_start3A_389 : memref<!tpu.dma_semaphore, #tpu.memory_space<semaphore_mem>>)
    %add3A_397 = arith.constant 0 : i32
    %add3A_398 = arith.addi %mul3A_2, %add3A_397 : i32
    %dma_wait3A_399 = arith.constant 0 : i32
    %dma_wait3A_400 = arith.constant 49 : i32
    %dma_wait3A_401 = arith.constant 0 : i32
    %dma_wait3A_402 = arith.constant 0 : i32
    %dma_wait3A_403 = arith.constant 0 : i32
    %dma_wait3A_404 = tpu.memref_slice %arg6[%dma_wait3A_399, %dma_wait3A_402, %dma_wait3A_403] : memref<4x32x512xf32, #tpu.memory_space<vmem>> -> memref<1x32x512xf32, #tpu.memory_space<vmem>>
    %dma_wait3A_405 = tpu.memref_squeeze %dma_wait3A_404 : memref<1x32x512xf32, #tpu.memory_space<vmem>> -> memref<32x512xf32, #tpu.memory_space<vmem>>
    %dma_wait3A_406 = arith.constant 0 : i32
    %dma_wait3A_407 = tpu.memref_slice %arg4[%dma_wait3A_400, %add3A_398, %dma_wait3A_406] : memref<50x4096x512xf32, #tpu.memory_space<hbm>> -> memref<1x32x512xf32, #tpu.memory_space<hbm>>
    %dma_wait3A_408 = tpu.memref_squeeze %dma_wait3A_407 : memref<1x32x512xf32, #tpu.memory_space<hbm>> -> memref<32x512xf32, #tpu.memory_space<hbm>>
    %dma_wait3A_409 = tpu.memref_slice %arg8[%dma_wait3A_401] : memref<4x!tpu.dma_semaphore, #tpu.memory_space<semaphore_mem>> -> memref<1x!tpu.dma_semaphore, #tpu.memory_space<semaphore_mem>>
    %dma_wait3A_410 = tpu.memref_squeeze %dma_wait3A_409 : memref<1x!tpu.dma_semaphore, #tpu.memory_space<semaphore_mem>> -> memref<!tpu.dma_semaphore, #tpu.memory_space<semaphore_mem>>
    %dma_wait3A_411 = arith.constant 0 : i32
    %dma_wait3A_412 = tpu.memref_slice %arg4[%dma_wait3A_400, %add3A_398, %dma_wait3A_411] : memref<50x4096x512xf32, #tpu.memory_space<hbm>> -> memref<1x32x512xf32, #tpu.memory_space<hbm>>
    %dma_wait3A_413 = tpu.memref_squeeze %dma_wait3A_412 : memref<1x32x512xf32, #tpu.memory_space<hbm>> -> memref<32x512xf32, #tpu.memory_space<hbm>>
    %dma_wait3A_414 = arith.constant 0 : i32
    %dma_wait3A_415 = arith.constant 0 : i32
    %dma_wait3A_416 = tpu.memref_slice %arg6[%dma_wait3A_399, %dma_wait3A_414, %dma_wait3A_415] : memref<4x32x512xf32, #tpu.memory_space<vmem>> -> memref<1x32x512xf32, #tpu.memory_space<vmem>>
    %dma_wait3A_417 = tpu.memref_squeeze %dma_wait3A_416 : memref<1x32x512xf32, #tpu.memory_space<vmem>> -> memref<32x512xf32, #tpu.memory_space<vmem>>
    tpu.wait_dma2 semaphore(%dma_wait3A_410 : memref<!tpu.dma_semaphore, #tpu.memory_space<semaphore_mem>>) src(%dma_wait3A_417 : memref<32x512xf32, #tpu.memory_space<vmem>>) dst(%dma_wait3A_413 : memref<32x512xf32, #tpu.memory_space<hbm>>)
    %dma_wait3A_418 = arith.constant 2 : i32
    %dma_wait3A_419 = arith.constant 2 : i32
    %dma_wait3A_420 = arith.constant 0 : i32
    %dma_wait3A_421 = arith.constant 0 : i32
    %dma_wait3A_422 = tpu.memref_slice %arg6[%dma_wait3A_418, %dma_wait3A_420, %dma_wait3A_421] : memref<4x32x512xf32, #tpu.memory_space<vmem>> -> memref<1x32x512xf32, #tpu.memory_space<vmem>>
    %dma_wait3A_423 = tpu.memref_squeeze %dma_wait3A_422 : memref<1x32x512xf32, #tpu.memory_space<vmem>> -> memref<32x512xf32, #tpu.memory_space<vmem>>
    %dma_wait3A_424 = arith.constant 6336 : i32
    %dma_wait3A_425 = tpu.memref_slice %arg5[%dma_wait3A_424] : memref<7168xi32, #tpu.memory_space<vmem>> -> memref<32xi32, #tpu.memory_space<vmem>>
    %dma_wait3A_426 = arith.constant 0 : i32
    %dma_wait3A_427 = arith.constant 0 : i32
    %dma_wait3A_428 = tpu.memref_slice %arg2[%dma_wait3A_426, %dma_wait3A_427] : memref<100000x512xf32, #tpu.memory_space<hbm>> -> memref<100000x512xf32, #tpu.memory_space<hbm>>
    %dma_wait3A_429 = tpu.memref_slice %arg7[%dma_wait3A_419] : memref<4x!tpu.dma_semaphore, #tpu.memory_space<semaphore_mem>> -> memref<1x!tpu.dma_semaphore, #tpu.memory_space<semaphore_mem>>
    %dma_wait3A_430 = tpu.memref_squeeze %dma_wait3A_429 : memref<1x!tpu.dma_semaphore, #tpu.memory_space<semaphore_mem>> -> memref<!tpu.dma_semaphore, #tpu.memory_space<semaphore_mem>>
    tpu.wait_indirect_dma semaphore(%dma_wait3A_430 : memref<!tpu.dma_semaphore, #tpu.memory_space<semaphore_mem>>) src(%dma_wait3A_428 : memref<100000x512xf32, #tpu.memory_space<hbm>>) dst(%dma_wait3A_423 : memref<32x512xf32, #tpu.memory_space<vmem>>)
    %add3A_431 = arith.constant 64 : i32
    %add3A_432 = arith.addi %mul3A_2, %add3A_431 : i32
    %dma_start3A_433 = arith.constant 2 : i32
    %dma_start3A_434 = arith.constant 49 : i32
    %dma_start3A_435 = arith.constant 2 : i32
    %dma_start3A_436 = arith.constant 0 : i32
    %dma_start3A_437 = arith.constant 0 : i32
    %dma_start3A_438 = tpu.memref_slice %arg6[%dma_start3A_433, %dma_start3A_436, %dma_start3A_437] : memref<4x32x512xf32, #tpu.memory_space<vmem>> -> memref<1x32x512xf32, #tpu.memory_space<vmem>>
    %dma_start3A_439 = tpu.memref_squeeze %dma_start3A_438 : memref<1x32x512xf32, #tpu.memory_space<vmem>> -> memref<32x512xf32, #tpu.memory_space<vmem>>
    %dma_start3A_440 = arith.constant 0 : i32
    %dma_start3A_441 = tpu.memref_slice %arg4[%dma_start3A_434, %add3A_432, %dma_start3A_440] : memref<50x4096x512xf32, #tpu.memory_space<hbm>> -> memref<1x32x512xf32, #tpu.memory_space<hbm>>
    %dma_start3A_442 = tpu.memref_squeeze %dma_start3A_441 : memref<1x32x512xf32, #tpu.memory_space<hbm>> -> memref<32x512xf32, #tpu.memory_space<hbm>>
    %dma_start3A_443 = tpu.memref_slice %arg8[%dma_start3A_435] : memref<4x!tpu.dma_semaphore, #tpu.memory_space<semaphore_mem>> -> memref<1x!tpu.dma_semaphore, #tpu.memory_space<semaphore_mem>>
    %dma_start3A_444 = tpu.memref_squeeze %dma_start3A_443 : memref<1x!tpu.dma_semaphore, #tpu.memory_space<semaphore_mem>> -> memref<!tpu.dma_semaphore, #tpu.memory_space<semaphore_mem>>
    %dma_start3A_445 = arith.constant 0 : i32
    %dma_start3A_446 = tpu.memref_slice %arg4[%dma_start3A_434, %add3A_432, %dma_start3A_445] : memref<50x4096x512xf32, #tpu.memory_space<hbm>> -> memref<1x32x512xf32, #tpu.memory_space<hbm>>
    %dma_start3A_447 = tpu.memref_squeeze %dma_start3A_446 : memref<1x32x512xf32, #tpu.memory_space<hbm>> -> memref<32x512xf32, #tpu.memory_space<hbm>>
    %dma_start3A_448 = arith.constant 0 : i32
    %dma_start3A_449 = arith.constant 0 : i32
    %dma_start3A_450 = tpu.memref_slice %arg6[%dma_start3A_433, %dma_start3A_448, %dma_start3A_449] : memref<4x32x512xf32, #tpu.memory_space<vmem>> -> memref<1x32x512xf32, #tpu.memory_space<vmem>>
    %dma_start3A_451 = tpu.memref_squeeze %dma_start3A_450 : memref<1x32x512xf32, #tpu.memory_space<vmem>> -> memref<32x512xf32, #tpu.memory_space<vmem>>
    tpu.enqueue_dma source(%dma_start3A_451 : memref<32x512xf32, #tpu.memory_space<vmem>>) target(%dma_start3A_447 : memref<32x512xf32, #tpu.memory_space<hbm>>) target_semaphore(%dma_start3A_444 : memref<!tpu.dma_semaphore, #tpu.memory_space<semaphore_mem>>)
    %add3A_452 = arith.constant 32 : i32
    %add3A_453 = arith.addi %mul3A_2, %add3A_452 : i32
    %dma_wait3A_454 = arith.constant 1 : i32
    %dma_wait3A_455 = arith.constant 49 : i32
    %dma_wait3A_456 = arith.constant 1 : i32
    %dma_wait3A_457 = arith.constant 0 : i32
    %dma_wait3A_458 = arith.constant 0 : i32
    %dma_wait3A_459 = tpu.memref_slice %arg6[%dma_wait3A_454, %dma_wait3A_457, %dma_wait3A_458] : memref<4x32x512xf32, #tpu.memory_space<vmem>> -> memref<1x32x512xf32, #tpu.memory_space<vmem>>
    %dma_wait3A_460 = tpu.memref_squeeze %dma_wait3A_459 : memref<1x32x512xf32, #tpu.memory_space<vmem>> -> memref<32x512xf32, #tpu.memory_space<vmem>>
    %dma_wait3A_461 = arith.constant 0 : i32
    %dma_wait3A_462 = tpu.memref_slice %arg4[%dma_wait3A_455, %add3A_453, %dma_wait3A_461] : memref<50x4096x512xf32, #tpu.memory_space<hbm>> -> memref<1x32x512xf32, #tpu.memory_space<hbm>>
    %dma_wait3A_463 = tpu.memref_squeeze %dma_wait3A_462 : memref<1x32x512xf32, #tpu.memory_space<hbm>> -> memref<32x512xf32, #tpu.memory_space<hbm>>
    %dma_wait3A_464 = tpu.memref_slice %arg8[%dma_wait3A_456] : memref<4x!tpu.dma_semaphore, #tpu.memory_space<semaphore_mem>> -> memref<1x!tpu.dma_semaphore, #tpu.memory_space<semaphore_mem>>
    %dma_wait3A_465 = tpu.memref_squeeze %dma_wait3A_464 : memref<1x!tpu.dma_semaphore, #tpu.memory_space<semaphore_mem>> -> memref<!tpu.dma_semaphore, #tpu.memory_space<semaphore_mem>>
    %dma_wait3A_466 = arith.constant 0 : i32
    %dma_wait3A_467 = tpu.memref_slice %arg4[%dma_wait3A_455, %add3A_453, %dma_wait3A_466] : memref<50x4096x512xf32, #tpu.memory_space<hbm>> -> memref<1x32x512xf32, #tpu.memory_space<hbm>>
    %dma_wait3A_468 = tpu.memref_squeeze %dma_wait3A_467 : memref<1x32x512xf32, #tpu.memory_space<hbm>> -> memref<32x512xf32, #tpu.memory_space<hbm>>
    %dma_wait3A_469 = arith.constant 0 : i32
    %dma_wait3A_470 = arith.constant 0 : i32
    %dma_wait3A_471 = tpu.memref_slice %arg6[%dma_wait3A_454, %dma_wait3A_469, %dma_wait3A_470] : memref<4x32x512xf32, #tpu.memory_space<vmem>> -> memref<1x32x512xf32, #tpu.memory_space<vmem>>
    %dma_wait3A_472 = tpu.memref_squeeze %dma_wait3A_471 : memref<1x32x512xf32, #tpu.memory_space<vmem>> -> memref<32x512xf32, #tpu.memory_space<vmem>>
    tpu.wait_dma2 semaphore(%dma_wait3A_465 : memref<!tpu.dma_semaphore, #tpu.memory_space<semaphore_mem>>) src(%dma_wait3A_472 : memref<32x512xf32, #tpu.memory_space<vmem>>) dst(%dma_wait3A_468 : memref<32x512xf32, #tpu.memory_space<hbm>>)
    %dma_wait3A_473 = arith.constant 3 : i32
    %dma_wait3A_474 = arith.constant 3 : i32
    %dma_wait3A_475 = arith.constant 0 : i32
    %dma_wait3A_476 = arith.constant 0 : i32
    %dma_wait3A_477 = tpu.memref_slice %arg6[%dma_wait3A_473, %dma_wait3A_475, %dma_wait3A_476] : memref<4x32x512xf32, #tpu.memory_space<vmem>> -> memref<1x32x512xf32, #tpu.memory_space<vmem>>
    %dma_wait3A_478 = tpu.memref_squeeze %dma_wait3A_477 : memref<1x32x512xf32, #tpu.memory_space<vmem>> -> memref<32x512xf32, #tpu.memory_space<vmem>>
    %dma_wait3A_479 = arith.constant 6368 : i32
    %dma_wait3A_480 = tpu.memref_slice %arg5[%dma_wait3A_479] : memref<7168xi32, #tpu.memory_space<vmem>> -> memref<32xi32, #tpu.memory_space<vmem>>
    %dma_wait3A_481 = arith.constant 0 : i32
    %dma_wait3A_482 = arith.constant 0 : i32
    %dma_wait3A_483 = tpu.memref_slice %arg2[%dma_wait3A_481, %dma_wait3A_482] : memref<100000x512xf32, #tpu.memory_space<hbm>> -> memref<100000x512xf32, #tpu.memory_space<hbm>>
    %dma_wait3A_484 = tpu.memref_slice %arg7[%dma_wait3A_474] : memref<4x!tpu.dma_semaphore, #tpu.memory_space<semaphore_mem>> -> memref<1x!tpu.dma_semaphore, #tpu.memory_space<semaphore_mem>>
    %dma_wait3A_485 = tpu.memref_squeeze %dma_wait3A_484 : memref<1x!tpu.dma_semaphore, #tpu.memory_space<semaphore_mem>> -> memref<!tpu.dma_semaphore, #tpu.memory_space<semaphore_mem>>
    tpu.wait_indirect_dma semaphore(%dma_wait3A_485 : memref<!tpu.dma_semaphore, #tpu.memory_space<semaphore_mem>>) src(%dma_wait3A_483 : memref<100000x512xf32, #tpu.memory_space<hbm>>) dst(%dma_wait3A_478 : memref<32x512xf32, #tpu.memory_space<vmem>>)
    %add3A_486 = arith.constant 96 : i32
    %add3A_487 = arith.addi %mul3A_2, %add3A_486 : i32
    %dma_start3A_488 = arith.constant 3 : i32
    %dma_start3A_489 = arith.constant 49 : i32
    %dma_start3A_490 = arith.constant 3 : i32
    %dma_start3A_491 = arith.constant 0 : i32
    %dma_start3A_492 = arith.constant 0 : i32
    %dma_start3A_493 = tpu.memref_slice %arg6[%dma_start3A_488, %dma_start3A_491, %dma_start3A_492] : memref<4x32x512xf32, #tpu.memory_space<vmem>> -> memref<1x32x512xf32, #tpu.memory_space<vmem>>
    %dma_start3A_494 = tpu.memref_squeeze %dma_start3A_493 : memref<1x32x512xf32, #tpu.memory_space<vmem>> -> memref<32x512xf32, #tpu.memory_space<vmem>>
    %dma_start3A_495 = arith.constant 0 : i32
    %dma_start3A_496 = tpu.memref_slice %arg4[%dma_start3A_489, %add3A_487, %dma_start3A_495] : memref<50x4096x512xf32, #tpu.memory_space<hbm>> -> memref<1x32x512xf32, #tpu.memory_space<hbm>>
    %dma_start3A_497 = tpu.memref_squeeze %dma_start3A_496 : memref<1x32x512xf32, #tpu.memory_space<hbm>> -> memref<32x512xf32, #tpu.memory_space<hbm>>
    %dma_start3A_498 = tpu.memref_slice %arg8[%dma_start3A_490] : memref<4x!tpu.dma_semaphore, #tpu.memory_space<semaphore_mem>> -> memref<1x!tpu.dma_semaphore, #tpu.memory_space<semaphore_mem>>
    %dma_start3A_499 = tpu.memref_squeeze %dma_start3A_498 : memref<1x!tpu.dma_semaphore, #tpu.memory_space<semaphore_mem>> -> memref<!tpu.dma_semaphore, #tpu.memory_space<semaphore_mem>>
    %dma_start3A_500 = arith.constant 0 : i32
    %dma_start3A_501 = tpu.memref_slice %arg4[%dma_start3A_489, %add3A_487, %dma_start3A_500] : memref<50x4096x512xf32, #tpu.memory_space<hbm>> -> memref<1x32x512xf32, #tpu.memory_space<hbm>>
    %dma_start3A_502 = tpu.memref_squeeze %dma_start3A_501 : memref<1x32x512xf32, #tpu.memory_space<hbm>> -> memref<32x512xf32, #tpu.memory_space<hbm>>
    %dma_start3A_503 = arith.constant 0 : i32
    %dma_start3A_504 = arith.constant 0 : i32
    %dma_start3A_505 = tpu.memref_slice %arg6[%dma_start3A_488, %dma_start3A_503, %dma_start3A_504] : memref<4x32x512xf32, #tpu.memory_space<vmem>> -> memref<1x32x512xf32, #tpu.memory_space<vmem>>
    %dma_start3A_506 = tpu.memref_squeeze %dma_start3A_505 : memref<1x32x512xf32, #tpu.memory_space<vmem>> -> memref<32x512xf32, #tpu.memory_space<vmem>>
    tpu.enqueue_dma source(%dma_start3A_506 : memref<32x512xf32, #tpu.memory_space<vmem>>) target(%dma_start3A_502 : memref<32x512xf32, #tpu.memory_space<hbm>>) target_semaphore(%dma_start3A_499 : memref<!tpu.dma_semaphore, #tpu.memory_space<semaphore_mem>>)
    %add3A_507 = arith.constant 64 : i32
    %add3A_508 = arith.addi %mul3A_2, %add3A_507 : i32
    %dma_wait3A_509 = arith.constant 2 : i32
    %dma_wait3A_510 = arith.constant 49 : i32
    %dma_wait3A_511 = arith.constant 2 : i32
    %dma_wait3A_512 = arith.constant 0 : i32
    %dma_wait3A_513 = arith.constant 0 : i32
    %dma_wait3A_514 = tpu.memref_slice %arg6[%dma_wait3A_509, %dma_wait3A_512, %dma_wait3A_513] : memref<4x32x512xf32, #tpu.memory_space<vmem>> -> memref<1x32x512xf32, #tpu.memory_space<vmem>>
    %dma_wait3A_515 = tpu.memref_squeeze %dma_wait3A_514 : memref<1x32x512xf32, #tpu.memory_space<vmem>> -> memref<32x512xf32, #tpu.memory_space<vmem>>
    %dma_wait3A_516 = arith.constant 0 : i32
    %dma_wait3A_517 = tpu.memref_slice %arg4[%dma_wait3A_510, %add3A_508, %dma_wait3A_516] : memref<50x4096x512xf32, #tpu.memory_space<hbm>> -> memref<1x32x512xf32, #tpu.memory_space<hbm>>
    %dma_wait3A_518 = tpu.memref_squeeze %dma_wait3A_517 : memref<1x32x512xf32, #tpu.memory_space<hbm>> -> memref<32x512xf32, #tpu.memory_space<hbm>>
    %dma_wait3A_519 = tpu.memref_slice %arg8[%dma_wait3A_511] : memref<4x!tpu.dma_semaphore, #tpu.memory_space<semaphore_mem>> -> memref<1x!tpu.dma_semaphore, #tpu.memory_space<semaphore_mem>>
    %dma_wait3A_520 = tpu.memref_squeeze %dma_wait3A_519 : memref<1x!tpu.dma_semaphore, #tpu.memory_space<semaphore_mem>> -> memref<!tpu.dma_semaphore, #tpu.memory_space<semaphore_mem>>
    %dma_wait3A_521 = arith.constant 0 : i32
    %dma_wait3A_522 = tpu.memref_slice %arg4[%dma_wait3A_510, %add3A_508, %dma_wait3A_521] : memref<50x4096x512xf32, #tpu.memory_space<hbm>> -> memref<1x32x512xf32, #tpu.memory_space<hbm>>
    %dma_wait3A_523 = tpu.memref_squeeze %dma_wait3A_522 : memref<1x32x512xf32, #tpu.memory_space<hbm>> -> memref<32x512xf32, #tpu.memory_space<hbm>>
    %dma_wait3A_524 = arith.constant 0 : i32
    %dma_wait3A_525 = arith.constant 0 : i32
    %dma_wait3A_526 = tpu.memref_slice %arg6[%dma_wait3A_509, %dma_wait3A_524, %dma_wait3A_525] : memref<4x32x512xf32, #tpu.memory_space<vmem>> -> memref<1x32x512xf32, #tpu.memory_space<vmem>>
    %dma_wait3A_527 = tpu.memref_squeeze %dma_wait3A_526 : memref<1x32x512xf32, #tpu.memory_space<vmem>> -> memref<32x512xf32, #tpu.memory_space<vmem>>
    tpu.wait_dma2 semaphore(%dma_wait3A_520 : memref<!tpu.dma_semaphore, #tpu.memory_space<semaphore_mem>>) src(%dma_wait3A_527 : memref<32x512xf32, #tpu.memory_space<vmem>>) dst(%dma_wait3A_523 : memref<32x512xf32, #tpu.memory_space<hbm>>)
    %add3A_528 = arith.constant 96 : i32
    %add3A_529 = arith.addi %mul3A_2, %add3A_528 : i32
    %dma_wait3A_530 = arith.constant 3 : i32
    %dma_wait3A_531 = arith.constant 49 : i32
    %dma_wait3A_532 = arith.constant 3 : i32
    %dma_wait3A_533 = arith.constant 0 : i32
    %dma_wait3A_534 = arith.constant 0 : i32
    %dma_wait3A_535 = tpu.memref_slice %arg6[%dma_wait3A_530, %dma_wait3A_533, %dma_wait3A_534] : memref<4x32x512xf32, #tpu.memory_space<vmem>> -> memref<1x32x512xf32, #tpu.memory_space<vmem>>
    %dma_wait3A_536 = tpu.memref_squeeze %dma_wait3A_535 : memref<1x32x512xf32, #tpu.memory_space<vmem>> -> memref<32x512xf32, #tpu.memory_space<vmem>>
    %dma_wait3A_537 = arith.constant 0 : i32
    %dma_wait3A_538 = tpu.memref_slice %arg4[%dma_wait3A_531, %add3A_529, %dma_wait3A_537] : memref<50x4096x512xf32, #tpu.memory_space<hbm>> -> memref<1x32x512xf32, #tpu.memory_space<hbm>>
    %dma_wait3A_539 = tpu.memref_squeeze %dma_wait3A_538 : memref<1x32x512xf32, #tpu.memory_space<hbm>> -> memref<32x512xf32, #tpu.memory_space<hbm>>
    %dma_wait3A_540 = tpu.memref_slice %arg8[%dma_wait3A_532] : memref<4x!tpu.dma_semaphore, #tpu.memory_space<semaphore_mem>> -> memref<1x!tpu.dma_semaphore, #tpu.memory_space<semaphore_mem>>
    %dma_wait3A_541 = tpu.memref_squeeze %dma_wait3A_540 : memref<1x!tpu.dma_semaphore, #tpu.memory_space<semaphore_mem>> -> memref<!tpu.dma_semaphore, #tpu.memory_space<semaphore_mem>>
    %dma_wait3A_542 = arith.constant 0 : i32
    %dma_wait3A_543 = tpu.memref_slice %arg4[%dma_wait3A_531, %add3A_529, %dma_wait3A_542] : memref<50x4096x512xf32, #tpu.memory_space<hbm>> -> memref<1x32x512xf32, #tpu.memory_space<hbm>>
    %dma_wait3A_544 = tpu.memref_squeeze %dma_wait3A_543 : memref<1x32x512xf32, #tpu.memory_space<hbm>> -> memref<32x512xf32, #tpu.memory_space<hbm>>
    %dma_wait3A_545 = arith.constant 0 : i32
    %dma_wait3A_546 = arith.constant 0 : i32
    %dma_wait3A_547 = tpu.memref_slice %arg6[%dma_wait3A_530, %dma_wait3A_545, %dma_wait3A_546] : memref<4x32x512xf32, #tpu.memory_space<vmem>> -> memref<1x32x512xf32, #tpu.memory_space<vmem>>
    %dma_wait3A_548 = tpu.memref_squeeze %dma_wait3A_547 : memref<1x32x512xf32, #tpu.memory_space<vmem>> -> memref<32x512xf32, #tpu.memory_space<vmem>>
    tpu.wait_dma2 semaphore(%dma_wait3A_541 : memref<!tpu.dma_semaphore, #tpu.memory_space<semaphore_mem>>) src(%dma_wait3A_548 : memref<32x512xf32, #tpu.memory_space<vmem>>) dst(%dma_wait3A_544 : memref<32x512xf32, #tpu.memory_space<hbm>>)
    return
  }
}

</mosaic_0001>

<sc_bundles>
// kernel: kernel.3.cloned.1.call-start
scs
__scs_entry_jumppad:
0x0: {  	(pc) =	sbr.rel $0x88, $3  }
0x1: {  	(tag) =	ssettag $0x0;
	lr =	simm.s32 $0x1  }
0x2: {  	[smem:$0x3F9F] =	sst lr;
	_ =	strace $0xD0000000  }
0x3: {  	_ = 	snop  }
0x4: {  	_ = 	snop  }
0x5: {  	_ = 	snop  }
0x6: {  	_ = 	snop  }
0x7: {  	_ = 	snop  }
__scs_overlays_trampoline_lowered:
0x8: {  	[smem:$0x3FAE] =	sst s0  }
0x9: {  	[smem:$0x3FAF] =	sst s1  }
0xa: {  	[smem:$0x3FB0] =	sst s2  }
0xb: {  	[smem:$0x3FB1] =	sst s3  }
0xc: {  	[smem:$0x3FB2] =	sst s4  }
0xd: {  	[smem:$0x3FB3] =	sst s5  }
0xe: {  	[smem:$0x3FB4] =	sst s6  }
0xf: {  	[smem:$0x3FB5] =	sst s7  }
0x10: {  	[smem:$0x3FB6] =	sst s8  }
0x11: {  	[smem:$0x3FB7] =	sst s9;
	s0 =	simm.s32 @!p0 $0x0  }
0x12: {  	s1 =	sld [smem:$0x3F9D];
	s0 =	simm.s32 @p0 $0x1  }
0x13: {  	[smem:$0x3FB8] =	sst s0;
	s0 =	simm.s32 @!p1 $0x0  }
0x14: {  	s2 =	sld [smem:$0x3F9C];
	s0 =	simm.s32 @p1 $0x1  }
0x15: {  	[smem:$0x3FB9] =	sst s0;
	s0 =	simm.s32 @!p2 $0x0  }
0x16: {  	s3 =	sld [smem:$0x3FDB];
	s0 =	simm.s32 @p2 $0x1  }
0x17: {  	s4 =	simm.s32 $0x1BF5;
	[smem:$0x3FBB] =	sst s0  }
0x18: {  	s0 =	sld [smem:$0x3F9E];
	_ =	swait.ge [sflag:s4], $0x0  }
0x19: {  	s7 =	sld [smem:$0x3F9F]  }
0x1a: {  	s8 =	sadd.s32 $0xFFFFE003, lr  }
0x1b: {  	s9 =	sadd.s32 $0xFFFFFEF7, lr;
	s5 =	simm.s32 $0xFFFFFFFF;
	p2 =	slt.u32 s8, $0xFFFFF086  }
0x1c: {  	p1 =	slt.u32 s9, $0xF7A;
	s5 =	simm.s32 @!p2 $0x0  }
0x1d: {  	s5 =	simm.s32 @p1 $0x1;
	p0 =	seq.s32 s7, s2  }
0x1e: {  	s7 =	smul.u32 @!p0 $0xF7A, s2;
	p2 =	seq.s32 @!p0 s5, $0x0  }
0x1f: {  	s9 =	smul.u32 $0xF7A, s1;
	s8 =	simm.s32 @!p0 $0x1BF5;
	p2 =	por !p2, p0  }
0x20: {  	[sflag:s8] =	ssyncset.s32 @!p0 $0xFFFFF086;
	s6 =	sadd.s32 @!p0 s3, s7;
	s7 =	simm.s32 @!p0 $0x108  }
0x21: {  	s3 =	sadd.s32 s3, s9;
	s6 =	sadd.s32 @!p0 $0x88, s6;
	s7 =	simm.s32 @p2 $0x1082  }
0x22: {  	[simem:s7], [sflag:s8] =	dma.local @!p0 [hbm:s6], $0xF7A  }
0x23: {  	s9 =	sor.u32 $0xD0000000, s2;
	s6 =	simm.s32 $0x108;
	_ =	swait.ge @!p0 [sflag:s8], $0x0  }
0x24: {  	s3 =	sadd.s32 $0x88, s3;
	s6 =	simm.s32 @!p1 $0x1082;
	[sflag:s4] =	ssyncset.s32 $0xFFFFF086  }
0x25: {  	[simem:s6], [sflag:s4] =	dma.local [hbm:s3], $0xF7A  }
0x26: {  	[smem:$0x3F9F] =	sst s1;
	(tag) =	ssettag s2;
	_ =	strace s9  }
0x27: {  	s1 =	sld [smem:$0x3FAF]  }
0x28: {  	s2 =	sld [smem:$0x3FB0]  }
0x29: {  	s4 =	sld [smem:$0x3FB2]  }
0x2a: {  	p0 =	seq.s32 s5, $0x0;
	s5 =	sld [smem:$0x3FB3]  }
0x2b: {  	s6 =	sld [smem:$0x3FB4]  }
0x2c: {  	s7 =	sld [smem:$0x3FB5]  }
0x2d: {  	s3 =	simm.s32 $0x108;
	s8 =	sld [smem:$0x3FB6]  }
0x2e: {  	s3 =	simm.s32 @!p0 $0x1082;
	s9 =	sld [smem:$0x3FB7]  }
0x2f: {  	lr =	sadd.s32 s0, s3;
	s0 =	sld [smem:$0x3FAE]  }
0x30: {  	s3 =	sld [smem:$0x3FB1]  }
0x31: {  	[smem:$0x3FBA] =	sst s10  }
0x32: {  	s10 =	sld [smem:$0x3FB8];
	_ =	sdelay $0x3  }
0x33: {  	p0 =	seq.s32 s10, $0x1;
	s10 =	sld [smem:$0x3FBA];
	_ =	sdelay $0x3  }
0x34: {  	[smem:$0x3FBA] =	sst s10  }
0x35: {  	s10 =	sld [smem:$0x3FB9];
	_ =	sdelay $0x3  }
0x36: {  	p1 =	seq.s32 s10, $0x1;
	s10 =	sld [smem:$0x3FBA];
	_ =	sdelay $0x3  }
0x37: {  	[smem:$0x3FBA] =	sst s10  }
0x38: {  	s10 =	sld [smem:$0x3FBB]  }
0x39: {  	_ = 	snop;
	(pc) =	sbr.ind lr, $3  }
0x3a: {  	_ = 	snop  }
0x3b: {  	_ = 	snop  }
0x3c: {  	p2 =	seq.s32 s10, $0x1;
	s10 =	sld [smem:$0x3FBA]  }
0x3d: {  	_ =	shalt  }
0x3e: {  	_ =	shalt  }
0x3f: {  	_ =	shalt  }
0x40: {  	_ =	shalt  }
0x41: {  	_ =	shalt  }
0x42: {  	_ =	shalt  }
0x43: {  	_ =	shalt  }
0x44: {  	_ =	shalt  }
0x45: {  	_ =	shalt  }
0x46: {  	_ =	shalt  }
0x47: {  	_ =	shalt  }
0x48: {  	_ =	shalt  }
0x49: {  	_ =	shalt  }
0x4a: {  	_ =	shalt  }
0x4b: {  	_ =	shalt  }
0x4c: {  	_ =	shalt  }
0x4d: {  	_ =	shalt  }
0x4e: {  	_ =	shalt  }
0x4f: {  	_ =	shalt  }
0x50: {  	_ =	shalt  }
0x51: {  	_ =	shalt  }
0x52: {  	_ =	shalt  }
0x53: {  	_ =	shalt  }
0x54: {  	_ =	shalt  }
0x55: {  	_ =	shalt  }
0x56: {  	_ =	shalt  }
0x57: {  	_ =	shalt  }
0x58: {  	_ =	shalt  }
0x59: {  	_ =	shalt  }
0x5a: {  	_ =	shalt  }
0x5b: {  	_ =	shalt  }
0x5c: {  	_ =	shalt  }
0x5d: {  	_ =	shalt  }
0x5e: {  	_ =	shalt  }
0x5f: {  	_ =	shalt  }
0x60: {  	_ =	shalt  }
0x61: {  	_ =	shalt  }
0x62: {  	_ =	shalt  }
0x63: {  	_ =	shalt  }
0x64: {  	_ =	shalt  }
0x65: {  	_ =	shalt  }
0x66: {  	_ =	shalt  }
0x67: {  	_ =	shalt  }
0x68: {  	_ =	shalt  }
0x69: {  	_ =	shalt  }
0x6a: {  	_ =	shalt  }
0x6b: {  	_ =	shalt  }
0x6c: {  	_ =	shalt  }
0x6d: {  	_ =	shalt  }
0x6e: {  	_ =	shalt  }
0x6f: {  	_ =	shalt  }
0x70: {  	_ =	shalt  }
0x71: {  	_ =	shalt  }
0x72: {  	_ =	shalt  }
0x73: {  	_ =	shalt  }
0x74: {  	_ =	shalt  }
0x75: {  	_ =	shalt  }
0x76: {  	_ =	shalt  }
0x77: {  	_ =	shalt  }
0x78: {  	_ =	shalt  }
0x79: {  	_ =	shalt  }
0x7a: {  	_ =	shalt  }
0x7b: {  	_ =	shalt  }
0x7c: {  	_ =	shalt  }
0x7d: {  	_ =	shalt  }
0x7e: {  	_ =	shalt  }
0x7f: {  	_ =	shalt  }
0x80: {  	_ =	shalt  }
0x81: {  	_ =	shalt  }
0x82: {  	_ =	shalt  }
0x83: {  	_ =	shalt  }
0x84: {  	_ =	shalt  }
0x85: {  	_ =	shalt  }
0x86: {  	_ =	shalt  }
0x87: {  	_ =	shalt  }
.Lfunc_end0:
.L_simem_size_0:
called_computation_lowered:
.L_overlay_start_0:
0x88: {  	s2 =	sld [smem:$0x3FD9]  }
0x89: {  	s3 =	sld [smem:$0x3FFE];
	_ =	sdelay $0x1  }
0x8a: {  	s1 =	srdreg.scid  }
0x8b: {  	s0 =	sand.u32 $0x1, s1  }
0x8c: {  	s17 =	sshll.u32 s0, $0xA;
	s2 =	sadd.s32 s3, s2  }
0x8d: {  	s2 =	sadd.s32 s2, s17  }
0x8e: {  	[smem:$0x3FC6] =	sst s2  }
0x8f: {  	_ = 	snop  }
0x90: {  	s2 =	sld [smem:$0x3FC8]  }
0x91: {  	s18 =	sld [smem:$0x3FD0];
	(tm) =	ssettm $0x1  }
0x92: {  	s4 =	sld [smem:$0x3FFB];
	_ =	sdelay $0x3  }
0x93: {  	_ =	strace s4  }
0x94: {  	s4 =	sld [smem:$0x3FFC];
	_ =	sdelay $0x3  }
0x95: {  	_ =	strace s4  }
0x96: {  	s4 =	sld [smem:$0x3FFD];
	_ =	sdelay $0x3  }
0x97: {  	_ =	strace s4  }
0x98: {  	_ =	strace $0x8FFFFFFF  }
0x99: {  	s19 =	sld [smem:$0x3FDB];
	_ =	sdelay $0x1  }
0x9a: {  	s5 =	simm.s32 $_scs_section_size  }
0x9b: {  	s6 =	simm.s32 $_size__tile_overlayer_lowered;
	s7 =	simm.s32 $_tile_overlayer_lowered  }
0x9c: {  	s22 =	simm.s32 $0x1BFF;
	s21 =	sshll.u32 s7, $0x1;
	s4 =	sadd.s32 s5, s19  }
0x9d: {  	s8 =	simm.s32 $0x0;
	s20 =	sshll.u32 s6, $0x1;
	s6 =	sadd.s32 s21, s4  }
0x9e: {  	[timem:s8], [sflag:s22] =	dma.local [hbm:s6], s20  }
0x9f: {  	_ =	swait.ge [sflag:s22], s20  }
0xa0: {  	s5 =	ssub.s32 $0x0, s20;
	[sflag:s22] =	ssyncset.done $0x0  }
0xa1: {  	[sflag:s22] =	ssyncadd.s32 s5;
	_ =	sdelay $0x1  }
0xa2: {  	s23 =	simm.s32 $0x1B8B  }
0xa3: {  	_ =	swait.ge [sflag:s23], $0x1  }
0xa4: {  	[sflag:s23] =	ssyncset.done $0x0  }
0xa5: {  	s25 =	simm.s32 $0x1B8E;
	s24 =	sld [smem:$0x3FFE];
	[sflag:s23] =	ssyncadd.s32 $0xFFFFFFFF  }
0xa6: {  	s26 =	simm.s32 $execute0_lowered;
	[smem:$0x3FD2] =	sst s25  }
0xa7: {  	s6 =	sshll.u32 s26, $0x1;
	_ =	strace $0x80000046;
	[dreg:$0x1] =	wrdreg $0xFFFFFFFF  }
0xa8: {  	s28 =	simm.s32 $_size_execute0_lowered;
	s4 =	sadd.s32 s4, s6;
	[dreg:$0x0] =	wrdreg $0x0  }
0xa9: {  	s6 =	sshll.u32 s28, $0x1;
	[dreg:$0x2] =	wrdreg s4  }
0xaa: {  	[dreg:$0x3] =	wrdreg s6  }
0xab: {  	[dreg:$0x4] =	wrdreg $0xC0  }
0xac: {  	_ =	task [dreg:s8], $0x5FFFF  }
0xad: {  	[dreg:$0x1] =	wrdreg $0xFFFFFFFF  }
0xae: {  	[dreg:$0x0] =	wrdreg $0x60  }
0xaf: {  	[dreg:$0x2] =	wrdreg s2  }
0xb0: {  	[dreg:$0x3] =	wrdreg s24  }
0xb1: {  	[dreg:$0x4] =	wrdreg s18  }
0xb2: {  	[dreg:$0x5] =	wrdreg $0x9  }
0xb3: {  	_ =	task.clear_ibuf [dreg:s8], $0x6FFFF;
	_ =	strace $0x90000046  }
0xb4: {  	s29 =	simm.s32 $0x9;
	_ =	strace $0x80000048  }
0xb5: {  	_ =	swait.ge [sflag:s29], $0x1  }
0xb6: {  	[sflag:s29] =	ssyncadd.s32 $0xFFFFFFFF  }
0xb7: {  	_ =	strace $0x90000048  }
0xb8: {  	_ =	sfence  }
0xb9: {  	s30 =	sld [smem:$0x0];
	_ =	sdelay $0x2  }
0xba: {  	s31 =	sshll.u32 s1, $0xD;
	s1 =	sshrl.u32 s1, $0x2  }
0xbb: {  	s3 =	sand.u32 $0x4000, s31;
	s1 =	sadd.s32 s1, s30  }
0xbc: {  	s0 =	sor.u32 s3, s0;
	s1 =	sshll.u32 s1, $0x11  }
0xbd: {  	s0 =	sor.u32 s1, s0  }
0xbe: {  	s0 =	sadd.s32 $0x8F2B, s0  }
0xbf: {  	[sflag:s0] =	ssyncadd.remote.s32 $0x1  }
0xc0: {  	_ =	sfence.sel $0xFFFF  }
0xc1: {  	[dreg:$0x0] =	wrdreg $0xFFFFFFFF;
	(pc) =	sbr.abs _section_cstart, $3  }
0xc2: {  	[dreg:$0x1] =	wrdreg $0xFFFFFFFF  }
0xc3: {  	_ =	task.clear_ibuf [dreg:s8], $0x2FFFF;
	_ =	strace $0x9FFFFFFF  }
0xc4: {  	(tm) =	ssettm $0x7FFFFFFF  }
0xc5: {  	_ =	shalt  }
tec
execute0_lowered:
.L_overlay_start_1:
0x0: {  	(tag) =	ssettag $0x1  }
0x1: {  	s1 =	rddreg [dreg:$0x0]  }
0x2: {  	s0 =	srdreg.scid;
	s4 =	rddreg [dreg:$0x1]  }
0x3: {  	s9 =	stileid.u32;
	s6 =	rddreg [dreg:$0x2]  }
0x4: {  	s15 =	simm.s32 $0x2400;
	s10 =	simm.s32 $0x3C00;
	s11 =	simm.s32 $0x4400  }
0x5: {  	s12 =	simm.s32 $0x4C00;
	s14 =	simm.s32 $0x5400;
	s17 =	simm.s32 $0x6C00  }
0x6: {  	s16 =	simm.s32 $0x9400;
	s13 =	simm.s32 $0xC400;
	s28 =	simm.s32 $0x3  }
0x7: {  	s29 =	simm.s32 $0x6;
	s30 =	simm.s32 $0x4;
	s31 =	simm.s32 $0x7  }
0x8: {  	s0 =	sand.u32 $0x1, s0;
	s2 =	sshll.u32 s9, $0x1;
	s3 =	sshrl.u32 s9, $0x2  }
0x9: {  	s24 =	sshll.u32 s9, $0xE;
	s9 =	simm.s32 $0x3400;
	s2 =	sor.u32 s0, s2  }
0xa: {  	s5 =	smul.u32 $0xE000, s3;
	s3 =	simm.s32 $0x0;
	s18 =	ssub.s32 $0x2, s0  }
0xb: {  	s0 =	sshll.u32 s0, $0xD;
	s7 =	sshll.u32 s2, $0x7;
	s2 =	sshll.u32 s2, $0xD  }
0xc: {  	[smem:$0x7FF] =	sst s3;
	s8 =	sshrl.u32 s18, $0x1;
	s19 =	sadd.s32 s6, s2  }
0xd: {  	_ =	strace $0x80000047;
	s2 =	sadd.s32 $0x800, s19;
	[dreg:$0x6] =	wrdreg s19  }
0xe: {  	s7 =	sand.u32 $0x380, s7;
	s20 =	sadd.s32 $0x1000, s19;
	[dreg:$0x7] =	wrdreg s2  }
0xf: {  	s5 =	sor.u32 s5, s7;
	s21 =	sadd.s32 $0x1800, s19;
	[dreg:$0x8] =	wrdreg s20  }
0x10: {  	s7 =	ssub.s32 s18, s8;
	s22 =	sadd.s32 $0xC40000, s19;
	[dreg:$0x9] =	wrdreg s21  }
0x11: {  	s23 =	sadd.s32 $0xC40800, s19;
	s25 =	sadd.s32 $0xC41000, s19;
	[dreg:$0xa] =	wrdreg s22  }
0x12: {  	s8 =	simm.s32 $0x2C00;
	s18 =	simm.s32 $0xA400;
	[dreg:$0xb] =	wrdreg s23  }
0x13: {  	s5 =	sshrl.u32 s5, $0x3;
	[dreg:$0xc] =	wrdreg s25;
	s2 =	sadd.s32 s24, s6  }
0x14: {  	s26 =	smax.u32 s7, $0x1;
	s6 =	simm.s32 $0x6400;
	s20 =	simm.s32 $0x7C00  }
0x15: {  	s21 =	simm.s32 $0x8400;
	s22 =	simm.s32 $0x8C00;
	s23 =	simm.s32 $0x1  }
0x16: {  	s24 =	simm.s32 $0x2;
	s25 =	simm.s32 $0x5;
	s4 =	sadd.s32 s5, s4  }
0x17: {  	s5 =	sadd.s32 $0x100, s1;
	[dreg:$0xe] =	wrdreg s26;
	s0 =	sadd.s32 s0, s2  }
0x18: {  	v2 =	vlaneseq.u32;
	s26 =	simm.s32 $0xAC00;
	s4 =	sadd.s32 $0x400, s4;
	[dreg:$0x4] =	wrdreg s0  }
0x19: {  	vm0 =	vmmov $0xffff;
	v1 =	vshrl.u32 v2, $0x3;
	s2 =	simm.s32 $0x8;
	[dreg:$0x5] =	wrdreg s4;
	s4 =	sadd.s32 $0xC41800, s19  }
0x1a: {  	v0 =	vand.u32 $0x7, v2;
	v2 =	vor.u32 $0x8, v2;
	v1 =	vmul.u32 $0x8, v1;
	s19 =	simm.s32 $0x7400;
	[dreg:$0xd] =	wrdreg s4;
	s4 =	simm.s32 $0x0  }
.LBB2_1:
0x1b: {  	[dreg:$0xf] =	wrdreg s4  }
0x1c: {  	s0 =	rddreg [dreg:$0x5];
	s4 =	simm.s32 $0x80;
	s7 =	simm.s32 $0x400  }
0x1d: {  	[tilespmem:s3], [sflag:$0x9] =	stream.strided.gather [hbm4b:s0+s4], $0x1C00, s7, s4, $0x38;
	[tilespmem:$0x11C00] =	vst v63  }
0x1e: {  	s7 =	simm.s32 $0x9  }
0x1f: {  	_ =	swait.ge [sflag:s7], $0x1C00  }
0x20: {  	[sflag:s7] =	ssyncset.done $0x0  }
0x21: {  	[sflag:s7] =	ssyncadd.s32 $0xFFFFE400  }
0x22: {  	v3 =	vld [tilespmem:$0x0];
	_ =	sdelay $0x4  }
0x23: {  	v4 =	vshll.u32 v3, $0x2  }
0x24: {  	v3 =	vand.u32 $0x7, v3;
	v4 =	vand.u32 $0xFFFFFFE0, v4  }
0x25: {  	v3 =	vor.u32 v3, v4  }
0x26: {  	v4 =	vperm.xlane v3, v0;
	_ =	sdelay $0x1  }
0x27: {  	v4 =	vadd.s32 v1, v4;
	_ =	sdelay $0x1  }
0x28: {  	v3 =	vperm.xlane v3, v2;
	_ =	sdelay $0x1  }
0x29: {  	s4 =	simm.s32 $0x1C00;
	v3 =	vadd.s32 v1, v3  }
0x2a: {  	[tilespmem:s4], [sflag:$0x1] =	stream.indirect_vreg.gather [hbm4b:s1+s3], $0x80, v4, vm0, $0xb8;
	[tilespmem:$0x11C00] =	vst v63  }
0x2b: {  	_ = 	snop  }
0x2c: {  	[tilespmem:s15], [sflag:$0x1] =	stream.indirect_vreg.gather [hbm4b:s5+s3], $0x80, v4, vm0, $0xb8;
	[tilespmem:$0x11C00] =	vst v63  }
0x2d: {  	_ = 	snop  }
0x2e: {  	[tilespmem:s8], [sflag:$0x1] =	stream.indirect_vreg.gather [hbm4b:s1+s3], $0x80, v3, vm0, $0xb8;
	[tilespmem:$0x11C00] =	vst v63  }
0x2f: {  	_ = 	snop  }
0x30: {  	[tilespmem:s9], [sflag:$0x1] =	stream.indirect_vreg.gather [hbm4b:s5+s3], $0x80, v3, vm0, $0xb8;
	[tilespmem:$0x11C00] =	vst v63  }
0x31: {  	v3 =	vld [tilespmem:$0x10];
	_ =	sdelay $0x4  }
0x32: {  	v51 =	vshll.u32 v3, $0x2  }
0x33: {  	v3 =	vand.u32 $0x7, v3;
	v4 =	vand.u32 $0xFFFFFFE0, v51  }
0x34: {  	v3 =	vor.u32 v3, v4  }
0x35: {  	v4 =	vperm.xlane v3, v0;
	_ =	sdelay $0x1  }
0x36: {  	v4 =	vadd.s32 v1, v4;
	_ =	sdelay $0x1  }
0x37: {  	v3 =	vperm.xlane v3, v2;
	_ =	sdelay $0x1  }
0x38: {  	v3 =	vadd.s32 v1, v3  }
0x39: {  	[tilespmem:s10], [sflag:$0x1] =	stream.indirect_vreg.gather [hbm4b:s1+s3], $0x80, v4, vm0, $0xb8;
	[tilespmem:$0x11C00] =	vst v63  }
0x3a: {  	_ = 	snop  }
0x3b: {  	[tilespmem:s11], [sflag:$0x1] =	stream.indirect_vreg.gather [hbm4b:s5+s3], $0x80, v4, vm0, $0xb8;
	[tilespmem:$0x11C00] =	vst v63  }
0x3c: {  	_ = 	snop  }
0x3d: {  	[tilespmem:s12], [sflag:$0x1] =	stream.indirect_vreg.gather [hbm4b:s1+s3], $0x80, v3, vm0, $0xb8;
	[tilespmem:$0x11C00] =	vst v63  }
0x3e: {  	_ = 	snop  }
0x3f: {  	[tilespmem:s14], [sflag:$0x1] =	stream.indirect_vreg.gather [hbm4b:s5+s3], $0x80, v3, vm0, $0xb8;
	[tilespmem:$0x11C00] =	vst v63  }
0x40: {  	v3 =	vld [tilespmem:$0x20];
	_ =	sdelay $0x4  }
0x41: {  	v52 =	vshll.u32 v3, $0x2  }
0x42: {  	v3 =	vand.u32 $0x7, v3;
	v4 =	vand.u32 $0xFFFFFFE0, v52  }
0x43: {  	v3 =	vor.u32 v3, v4  }
0x44: {  	v4 =	vperm.xlane v3, v0;
	_ =	sdelay $0x1  }
0x45: {  	v4 =	vadd.s32 v1, v4;
	_ =	sdelay $0x1  }
0x46: {  	v3 =	vperm.xlane v3, v2;
	_ =	sdelay $0x1  }
0x47: {  	s7 =	simm.s32 $0x5C00;
	v3 =	vadd.s32 v1, v3  }
0x48: {  	[tilespmem:s7], [sflag:$0x2] =	stream.indirect_vreg.gather [hbm4b:s1+s3], $0x80, v4, vm0, $0xb8;
	[tilespmem:$0x11C00] =	vst v63  }
0x49: {  	_ = 	snop  }
0x4a: {  	[tilespmem:s6], [sflag:$0x2] =	stream.indirect_vreg.gather [hbm4b:s5+s3], $0x80, v4, vm0, $0xb8;
	[tilespmem:$0x11C00] =	vst v63  }
0x4b: {  	_ = 	snop  }
0x4c: {  	[tilespmem:s17], [sflag:$0x2] =	stream.indirect_vreg.gather [hbm4b:s1+s3], $0x80, v3, vm0, $0xb8;
	[tilespmem:$0x11C00] =	vst v63  }
0x4d: {  	_ = 	snop  }
0x4e: {  	[tilespmem:s19], [sflag:$0x2] =	stream.indirect_vreg.gather [hbm4b:s5+s3], $0x80, v3, vm0, $0xb8;
	[tilespmem:$0x11C00] =	vst v63  }
0x4f: {  	v3 =	vld [tilespmem:$0x30];
	_ =	sdelay $0x4  }
0x50: {  	v53 =	vshll.u32 v3, $0x2  }
0x51: {  	v3 =	vand.u32 $0x7, v3;
	v4 =	vand.u32 $0xFFFFFFE0, v53  }
0x52: {  	v3 =	vor.u32 v3, v4  }
0x53: {  	v4 =	vperm.xlane v3, v0;
	_ =	sdelay $0x1  }
0x54: {  	v4 =	vadd.s32 v1, v4;
	_ =	sdelay $0x1  }
0x55: {  	v3 =	vperm.xlane v3, v2;
	_ =	sdelay $0x1  }
0x56: {  	v3 =	vadd.s32 v1, v3  }
0x57: {  	[tilespmem:s20], [sflag:$0x2] =	stream.indirect_vreg.gather [hbm4b:s1+s3], $0x80, v4, vm0, $0xb8;
	[tilespmem:$0x11C00] =	vst v63  }
0x58: {  	_ = 	snop  }
0x59: {  	[tilespmem:s21], [sflag:$0x2] =	stream.indirect_vreg.gather [hbm4b:s5+s3], $0x80, v4, vm0, $0xb8;
	[tilespmem:$0x11C00] =	vst v63  }
0x5a: {  	_ = 	snop  }
0x5b: {  	[tilespmem:s22], [sflag:$0x2] =	stream.indirect_vreg.gather [hbm4b:s1+s3], $0x80, v3, vm0, $0xb8;
	[tilespmem:$0x11C00] =	vst v63  }
0x5c: {  	_ = 	snop  }
0x5d: {  	[tilespmem:s16], [sflag:$0x2] =	stream.indirect_vreg.gather [hbm4b:s5+s3], $0x80, v3, vm0, $0xb8;
	[tilespmem:$0x11C00] =	vst v63  }
0x5e: {  	v3 =	vld [tilespmem:$0x40];
	_ =	sdelay $0x4  }
0x5f: {  	v54 =	vshll.u32 v3, $0x2  }
0x60: {  	v3 =	vand.u32 $0x7, v3;
	v4 =	vand.u32 $0xFFFFFFE0, v54  }
0x61: {  	v3 =	vor.u32 v3, v4  }
0x62: {  	v4 =	vperm.xlane v3, v0;
	_ =	sdelay $0x1  }
0x63: {  	v4 =	vadd.s32 v1, v4;
	_ =	sdelay $0x1  }
0x64: {  	v3 =	vperm.xlane v3, v2;
	_ =	sdelay $0x1  }
0x65: {  	s0 =	simm.s32 $0x9C00;
	v3 =	vadd.s32 v1, v3  }
0x66: {  	[tilespmem:s0], [sflag:$0x3] =	stream.indirect_vreg.gather [hbm4b:s1+s3], $0x80, v4, vm0, $0xb8;
	[tilespmem:$0x11C00] =	vst v63  }
0x67: {  	_ = 	snop  }
0x68: {  	[tilespmem:s18], [sflag:$0x3] =	stream.indirect_vreg.gather [hbm4b:s5+s3], $0x80, v4, vm0, $0xb8;
	[tilespmem:$0x11C00] =	vst v63  }
0x69: {  	_ = 	snop  }
0x6a: {  	[tilespmem:s26], [sflag:$0x3] =	stream.indirect_vreg.gather [hbm4b:s1+s3], $0x80, v3, vm0, $0xb8;
	[tilespmem:$0x11C00] =	vst v63  }
0x6b: {  	s0 =	simm.s32 $0xB400  }
0x6c: {  	[tilespmem:s0], [sflag:$0x3] =	stream.indirect_vreg.gather [hbm4b:s5+s3], $0x80, v3, vm0, $0xb8;
	[tilespmem:$0x11C00] =	vst v63  }
0x6d: {  	v3 =	vld [tilespmem:$0x50];
	_ =	sdelay $0x4  }
0x6e: {  	v55 =	vshll.u32 v3, $0x2  }
0x6f: {  	v3 =	vand.u32 $0x7, v3;
	v4 =	vand.u32 $0xFFFFFFE0, v55  }
0x70: {  	v3 =	vor.u32 v3, v4  }
0x71: {  	v4 =	vperm.xlane v3, v0;
	_ =	sdelay $0x1  }
0x72: {  	v4 =	vadd.s32 v1, v4;
	_ =	sdelay $0x1  }
0x73: {  	v3 =	vperm.xlane v3, v2;
	_ =	sdelay $0x1  }
0x74: {  	s0 =	simm.s32 $0xBC00;
	v3 =	vadd.s32 v1, v3  }
0x75: {  	[tilespmem:s0], [sflag:$0x3] =	stream.indirect_vreg.gather [hbm4b:s1+s3], $0x80, v4, vm0, $0xb8;
	[tilespmem:$0x11C00] =	vst v63  }
0x76: {  	_ = 	snop  }
0x77: {  	[tilespmem:s13], [sflag:$0x3] =	stream.indirect_vreg.gather [hbm4b:s5+s3], $0x80, v4, vm0, $0xb8;
	[tilespmem:$0x11C00] =	vst v63  }
0x78: {  	s13 =	simm.s32 $0xCC00  }
0x79: {  	[tilespmem:s13], [sflag:$0x3] =	stream.indirect_vreg.gather [hbm4b:s1+s3], $0x80, v3, vm0, $0xb8;
	[tilespmem:$0x11C00] =	vst v63  }
0x7a: {  	s13 =	simm.s32 $0xD400  }
0x7b: {  	[tilespmem:s13], [sflag:$0x3] =	stream.indirect_vreg.gather [hbm4b:s5+s3], $0x80, v3, vm0, $0xb8;
	[tilespmem:$0x11C00] =	vst v63  }
0x7c: {  	v3 =	vld [tilespmem:$0x60];
	_ =	sdelay $0x4  }
0x7d: {  	v56 =	vshll.u32 v3, $0x2  }
0x7e: {  	v3 =	vand.u32 $0x7, v3;
	v4 =	vand.u32 $0xFFFFFFE0, v56  }
0x7f: {  	v3 =	vor.u32 v3, v4  }
0x80: {  	v4 =	vperm.xlane v3, v0;
	_ =	sdelay $0x1  }
0x81: {  	v4 =	vadd.s32 v1, v4;
	_ =	sdelay $0x1  }
0x82: {  	v3 =	vperm.xlane v3, v2;
	_ =	sdelay $0x1  }
0x83: {  	s13 =	simm.s32 $0xDC00;
	v3 =	vadd.s32 v1, v3  }
0x84: {  	[tilespmem:s13], [sflag:$0x4] =	stream.indirect_vreg.gather [hbm4b:s1+s3], $0x80, v4, vm0, $0xb8;
	[tilespmem:$0x11C00] =	vst v63  }
0x85: {  	s0 =	simm.s32 $0xE400  }
0x86: {  	[tilespmem:s0], [sflag:$0x4] =	stream.indirect_vreg.gather [hbm4b:s5+s3], $0x80, v4, vm0, $0xb8;
	[tilespmem:$0x11C00] =	vst v63  }
0x87: {  	s0 =	simm.s32 $0xEC00  }
0x88: {  	[tilespmem:s0], [sflag:$0x4] =	stream.indirect_vreg.gather [hbm4b:s1+s3], $0x80, v3, vm0, $0xb8;
	[tilespmem:$0x11C00] =	vst v63  }
0x89: {  	s0 =	simm.s32 $0xF400  }
0x8a: {  	[tilespmem:s0], [sflag:$0x4] =	stream.indirect_vreg.gather [hbm4b:s5+s3], $0x80, v3, vm0, $0xb8;
	[tilespmem:$0x11C00] =	vst v63  }
0x8b: {  	v3 =	vld [tilespmem:$0x70];
	_ =	sdelay $0x4  }
0x8c: {  	v57 =	vshll.u32 v3, $0x2  }
0x8d: {  	v3 =	vand.u32 $0x7, v3;
	v4 =	vand.u32 $0xFFFFFFE0, v57  }
0x8e: {  	v3 =	vor.u32 v3, v4  }
0x8f: {  	v4 =	vperm.xlane v3, v0;
	_ =	sdelay $0x1  }
0x90: {  	v4 =	vadd.s32 v1, v4;
	_ =	sdelay $0x1  }
0x91: {  	v3 =	vperm.xlane v3, v2;
	_ =	sdelay $0x1  }
0x92: {  	s0 =	simm.s32 $0xFC00;
	v3 =	vadd.s32 v1, v3  }
0x93: {  	[tilespmem:s0], [sflag:$0x4] =	stream.indirect_vreg.gather [hbm4b:s1+s3], $0x80, v4, vm0, $0xb8;
	[tilespmem:$0x11C00] =	vst v63  }
0x94: {  	s0 =	simm.s32 $0x10400  }
0x95: {  	[tilespmem:s0], [sflag:$0x4] =	stream.indirect_vreg.gather [hbm4b:s5+s3], $0x80, v4, vm0, $0xb8;
	[tilespmem:$0x11C00] =	vst v63  }
0x96: {  	s0 =	simm.s32 $0x10C00  }
0x97: {  	[tilespmem:s0], [sflag:$0x4] =	stream.indirect_vreg.gather [hbm4b:s1+s3], $0x80, v3, vm0, $0xb8;
	[tilespmem:$0x11C00] =	vst v63  }
0x98: {  	s0 =	simm.s32 $0x11400  }
0x99: {  	[tilespmem:s0], [sflag:$0x4] =	stream.indirect_vreg.gather [hbm4b:s5+s3], $0x80, v3, vm0, $0xb8;
	[tilespmem:$0x11C00] =	vst v63  }
0x9a: {  	_ =	swait.ge [sflag:s23], $0x4000  }
0x9b: {  	[sflag:s23] =	ssyncset.done $0x0  }
0x9c: {  	s0 =	rddreg [dreg:$0x6];
	[sflag:s23] =	ssyncadd.s32 $0xFFFFC000  }
0x9d: {  	[hbm4b:s0+s3] =	stream.linear.scatter [tilespmem:s4], [sflag:$0x5], $0x4000, $0x38;
	[tilespmem:$0x11C00] =	vst v63  }
0x9e: {  	_ =	swait.ge [sflag:s24], $0x4000  }
0x9f: {  	[sflag:s24] =	ssyncset.done $0x0  }
0xa0: {  	s0 =	rddreg [dreg:$0x7];
	[sflag:s24] =	ssyncadd.s32 $0xFFFFC000  }
0xa1: {  	[hbm4b:s0+s3] =	stream.linear.scatter [tilespmem:s7], [sflag:$0x6], $0x4000, $0x38;
	[tilespmem:$0x11C00] =	vst v63  }
0xa2: {  	_ =	swait.ge [sflag:s25], $0x4000  }
0xa3: {  	[sflag:s25] =	ssyncset.done $0x0  }
0xa4: {  	[sflag:s25] =	ssyncadd.s32 $0xFFFFC000  }
0xa5: {  	v3 =	vld [tilespmem:$0x80];
	_ =	sdelay $0x4  }
0xa6: {  	v58 =	vshll.u32 v3, $0x2  }
0xa7: {  	v3 =	vand.u32 $0x7, v3;
	v4 =	vand.u32 $0xFFFFFFE0, v58  }
0xa8: {  	v3 =	vor.u32 v3, v4  }
0xa9: {  	v4 =	vperm.xlane v3, v0;
	_ =	sdelay $0x1  }
0xaa: {  	v4 =	vadd.s32 v1, v4;
	_ =	sdelay $0x1  }
0xab: {  	v3 =	vperm.xlane v3, v2;
	_ =	sdelay $0x1  }
0xac: {  	v3 =	vadd.s32 v1, v3  }
0xad: {  	[tilespmem:s4], [sflag:$0x1] =	stream.indirect_vreg.gather [hbm4b:s1+s3], $0x80, v4, vm0, $0xb8;
	[tilespmem:$0x11C00] =	vst v63  }
0xae: {  	_ = 	snop  }
0xaf: {  	[tilespmem:s15], [sflag:$0x1] =	stream.indirect_vreg.gather [hbm4b:s5+s3], $0x80, v4, vm0, $0xb8;
	[tilespmem:$0x11C00] =	vst v63  }
0xb0: {  	_ = 	snop  }
0xb1: {  	[tilespmem:s8], [sflag:$0x1] =	stream.indirect_vreg.gather [hbm4b:s1+s3], $0x80, v3, vm0, $0xb8;
	[tilespmem:$0x11C00] =	vst v63  }
0xb2: {  	_ = 	snop  }
0xb3: {  	[tilespmem:s9], [sflag:$0x1] =	stream.indirect_vreg.gather [hbm4b:s5+s3], $0x80, v3, vm0, $0xb8;
	[tilespmem:$0x11C00] =	vst v63  }
0xb4: {  	v3 =	vld [tilespmem:$0x90];
	_ =	sdelay $0x4  }
0xb5: {  	v59 =	vshll.u32 v3, $0x2  }
0xb6: {  	v3 =	vand.u32 $0x7, v3;
	v4 =	vand.u32 $0xFFFFFFE0, v59  }
0xb7: {  	v3 =	vor.u32 v3, v4  }
0xb8: {  	v4 =	vperm.xlane v3, v0;
	_ =	sdelay $0x1  }
0xb9: {  	v4 =	vadd.s32 v1, v4;
	_ =	sdelay $0x1  }
0xba: {  	v3 =	vperm.xlane v3, v2;
	_ =	sdelay $0x1  }
0xbb: {  	v3 =	vadd.s32 v1, v3  }
0xbc: {  	[tilespmem:s10], [sflag:$0x1] =	stream.indirect_vreg.gather [hbm4b:s1+s3], $0x80, v4, vm0, $0xb8;
	[tilespmem:$0x11C00] =	vst v63  }
0xbd: {  	_ = 	snop  }
0xbe: {  	[tilespmem:s11], [sflag:$0x1] =	stream.indirect_vreg.gather [hbm4b:s5+s3], $0x80, v4, vm0, $0xb8;
	[tilespmem:$0x11C00] =	vst v63  }
0xbf: {  	_ = 	snop  }
0xc0: {  	[tilespmem:s12], [sflag:$0x1] =	stream.indirect_vreg.gather [hbm4b:s1+s3], $0x80, v3, vm0, $0xb8;
	[tilespmem:$0x11C00] =	vst v63  }
0xc1: {  	_ = 	snop  }
0xc2: {  	[tilespmem:s14], [sflag:$0x1] =	stream.indirect_vreg.gather [hbm4b:s5+s3], $0x80, v3, vm0, $0xb8;
	[tilespmem:$0x11C00] =	vst v63  }
0xc3: {  	_ =	swait.ge [sflag:s28], $0x4000  }
0xc4: {  	[sflag:s28] =	ssyncset.done $0x0  }
0xc5: {  	s15 =	simm.s32 $0x9C00;
	s14 =	rddreg [dreg:$0x8];
	[sflag:s28] =	ssyncadd.s32 $0xFFFFC000  }
0xc6: {  	[hbm4b:s14+s3] =	stream.linear.scatter [tilespmem:s15], [sflag:$0x7], $0x4000, $0x38;
	[tilespmem:$0x11C00] =	vst v63  }
0xc7: {  	_ =	swait.ge [sflag:s29], $0x4000  }
0xc8: {  	[sflag:s29] =	ssyncset.done $0x0  }
0xc9: {  	[sflag:s29] =	ssyncadd.s32 $0xFFFFC000  }
0xca: {  	v3 =	vld [tilespmem:$0xA0];
	_ =	sdelay $0x4  }
0xcb: {  	v60 =	vshll.u32 v3, $0x2  }
0xcc: {  	v3 =	vand.u32 $0x7, v3;
	v4 =	vand.u32 $0xFFFFFFE0, v60  }
0xcd: {  	v3 =	vor.u32 v3, v4  }
0xce: {  	v4 =	vperm.xlane v3, v0;
	_ =	sdelay $0x1  }
0xcf: {  	v4 =	vadd.s32 v1, v4;
	_ =	sdelay $0x1  }
0xd0: {  	v3 =	vperm.xlane v3, v2;
	_ =	sdelay $0x1  }
0xd1: {  	v3 =	vadd.s32 v1, v3  }
0xd2: {  	[tilespmem:s7], [sflag:$0x2] =	stream.indirect_vreg.gather [hbm4b:s1+s3], $0x80, v4, vm0, $0xb8;
	[tilespmem:$0x11C00] =	vst v63  }
0xd3: {  	_ = 	snop  }
0xd4: {  	[tilespmem:s6], [sflag:$0x2] =	stream.indirect_vreg.gather [hbm4b:s5+s3], $0x80, v4, vm0, $0xb8;
	[tilespmem:$0x11C00] =	vst v63  }
0xd5: {  	_ = 	snop  }
0xd6: {  	[tilespmem:s17], [sflag:$0x2] =	stream.indirect_vreg.gather [hbm4b:s1+s3], $0x80, v3, vm0, $0xb8;
	[tilespmem:$0x11C00] =	vst v63  }
0xd7: {  	_ = 	snop  }
0xd8: {  	[tilespmem:s19], [sflag:$0x2] =	stream.indirect_vreg.gather [hbm4b:s5+s3], $0x80, v3, vm0, $0xb8;
	[tilespmem:$0x11C00] =	vst v63  }
0xd9: {  	v3 =	vld [tilespmem:$0xB0];
	_ =	sdelay $0x4  }
0xda: {  	v61 =	vshll.u32 v3, $0x2  }
0xdb: {  	v3 =	vand.u32 $0x7, v3;
	v4 =	vand.u32 $0xFFFFFFE0, v61  }
0xdc: {  	v3 =	vor.u32 v3, v4  }
0xdd: {  	v4 =	vperm.xlane v3, v0;
	_ =	sdelay $0x1  }
0xde: {  	v4 =	vadd.s32 v1, v4;
	_ =	sdelay $0x1  }
0xdf: {  	v3 =	vperm.xlane v3, v2;
	_ =	sdelay $0x1  }
0xe0: {  	v3 =	vadd.s32 v1, v3  }
0xe1: {  	[tilespmem:s20], [sflag:$0x2] =	stream.indirect_vreg.gather [hbm4b:s1+s3], $0x80, v4, vm0, $0xb8;
	[tilespmem:$0x11C00] =	vst v63  }
0xe2: {  	_ = 	snop  }
0xe3: {  	[tilespmem:s21], [sflag:$0x2] =	stream.indirect_vreg.gather [hbm4b:s5+s3], $0x80, v4, vm0, $0xb8;
	[tilespmem:$0x11C00] =	vst v63  }
0xe4: {  	_ = 	snop  }
0xe5: {  	[tilespmem:s22], [sflag:$0x2] =	stream.indirect_vreg.gather [hbm4b:s1+s3], $0x80, v3, vm0, $0xb8;
	[tilespmem:$0x11C00] =	vst v63  }
0xe6: {  	_ = 	snop  }
0xe7: {  	[tilespmem:s16], [sflag:$0x2] =	stream.indirect_vreg.gather [hbm4b:s5+s3], $0x80, v3, vm0, $0xb8;
	[tilespmem:$0x11C00] =	vst v63  }
0xe8: {  	_ =	swait.ge [sflag:s30], $0x4000  }
0xe9: {  	[sflag:s30] =	ssyncset.done $0x0  }
0xea: {  	s17 =	rddreg [dreg:$0x9];
	[sflag:s30] =	ssyncadd.s32 $0xFFFFC000  }
0xeb: {  	[hbm4b:s17+s3] =	stream.linear.scatter [tilespmem:s13], [sflag:$0x8], $0x4000, $0x38;
	[tilespmem:$0x11C00] =	vst v63  }
0xec: {  	_ =	swait.ge [sflag:s31], $0x4000  }
0xed: {  	[sflag:s31] =	ssyncset.done $0x0  }
0xee: {  	[sflag:s31] =	ssyncadd.s32 $0xFFFFC000  }
0xef: {  	v3 =	vld [tilespmem:$0xC0];
	_ =	sdelay $0x4  }
0xf0: {  	v62 =	vshll.u32 v3, $0x2  }
0xf1: {  	v3 =	vand.u32 $0x7, v3;
	v4 =	vand.u32 $0xFFFFFFE0, v62  }
0xf2: {  	v3 =	vor.u32 v3, v4  }
0xf3: {  	v4 =	vperm.xlane v3, v0;
	_ =	sdelay $0x1  }
0xf4: {  	v4 =	vadd.s32 v1, v4;
	_ =	sdelay $0x1  }
0xf5: {  	v3 =	vperm.xlane v3, v2;
	_ =	sdelay $0x1  }
0xf6: {  	v3 =	vadd.s32 v1, v3  }
0xf7: {  	[tilespmem:s15], [sflag:$0x3] =	stream.indirect_vreg.gather [hbm4b:s1+s3], $0x80, v4, vm0, $0xb8;
	[tilespmem:$0x11C00] =	vst v63  }
0xf8: {  	_ = 	snop  }
0xf9: {  	[tilespmem:s18], [sflag:$0x3] =	stream.indirect_vreg.gather [hbm4b:s5+s3], $0x80, v4, vm0, $0xb8;
	[tilespmem:$0x11C00] =	vst v63  }
0xfa: {  	_ = 	snop  }
0xfb: {  	[tilespmem:s26], [sflag:$0x3] =	stream.indirect_vreg.gather [hbm4b:s1+s3], $0x80, v3, vm0, $0xb8;
	[tilespmem:$0x11C00] =	vst v63  }
0xfc: {  	s20 =	simm.s32 $0xB400  }
0xfd: {  	[tilespmem:s20], [sflag:$0x3] =	stream.indirect_vreg.gather [hbm4b:s5+s3], $0x80, v3, vm0, $0xb8;
	[tilespmem:$0x11C00] =	vst v63  }
0xfe: {  	v3 =	vld [tilespmem:$0xD0];
	_ =	sdelay $0x4  }
0xff: {  	v63 =	vshll.u32 v3, $0x2  }
0x100: {  	v3 =	vand.u32 $0x7, v3;
	v4 =	vand.u32 $0xFFFFFFE0, v63  }
0x101: {  	v3 =	vor.u32 v3, v4  }
0x102: {  	v4 =	vperm.xlane v3, v0;
	_ =	sdelay $0x1  }
0x103: {  	v4 =	vadd.s32 v1, v4;
	_ =	sdelay $0x1  }
0x104: {  	s0 =	simm.s32 $0x150;
	s8 =	simm.s32 $0x2400;
	s9 =	simm.s32 $0x9400;
	v3 =	vperm.xlane v3, v2  }
0x105: {  	s10 =	simm.s32 $0x3400;
	s11 =	simm.s32 $0xAC00;
	s12 =	simm.s32 $0x4400  }
0x106: {  	s6 =	simm.s32 $0x5400;
	s19 =	simm.s32 $0xC400;
	s21 =	simm.s32 $0xBC00;
	v3 =	vadd.s32 v1, v3  }
0x107: {  	[tilespmem:s21], [sflag:$0x3] =	stream.indirect_vreg.gather [hbm4b:s1+s3], $0x80, v4, vm0, $0xb8;
	[tilespmem:$0x11C00] =	vst v63  }
0x108: {  	s22 =	simm.s32 $0xCC00;
	s17 =	simm.s32 $0x6400;
	s15 =	simm.s32 $0x0  }
0x109: {  	[tilespmem:s19], [sflag:$0x3] =	stream.indirect_vreg.gather [hbm4b:s5+s3], $0x80, v4, vm0, $0xb8;
	[tilespmem:$0x11C00] =	vst v63  }
0x10a: {  	s18 =	simm.s32 $0x8C00;
	s26 =	simm.s32 $0xD400;
	s20 =	simm.s32 $0x7400  }
0x10b: {  	[tilespmem:s22], [sflag:$0x3] =	stream.indirect_vreg.gather [hbm4b:s1+s3], $0x80, v3, vm0, $0xb8;
	[tilespmem:$0x11C00] =	vst v63  }
0x10c: {  	s21 =	simm.s32 $0x7C00;
	s19 =	simm.s32 $0x6C00;
	s22 =	simm.s32 $0x8400  }
0x10d: {  	[tilespmem:s26], [sflag:$0x3] =	stream.indirect_vreg.gather [hbm4b:s5+s3], $0x80, v3, vm0, $0xb8;
	[tilespmem:$0x11C00] =	vst v63  }
.LBB2_2:
0x10e: {  	_ =	swait.ge [sflag:s23], $0x4000  }
0x10f: {  	s4 =	rddreg [dreg:$0x4]  }
0x110: {  	[sflag:s23] =	ssyncset.done $0x0;
	s4 =	sadd.s32 s15, s4  }
0x111: {  	s16 =	simm.s32 $0x1C00;
	[sflag:s23] =	ssyncadd.s32 $0xFFFFC000;
	s7 =	sadd.s32 $0x40000, s4  }
0x112: {  	[hbm4b:s7+s3] =	stream.linear.scatter [tilespmem:s16], [sflag:$0x5], $0x4000, $0x38;
	[tilespmem:$0x11C00] =	vst v63  }
0x113: {  	_ =	swait.ge [sflag:s2], $0x4000  }
0x114: {  	[sflag:s2] =	ssyncset.done $0x0  }
0x115: {  	[sflag:s2] =	ssyncadd.s32 $0xFFFFC000  }
0x116: {  	v3 =	vld [tilespmem:s0+$0xFFFFFF90];
	_ =	sdelay $0x4  }
0x117: {  	v4 =	vshll.u32 v3, $0x2  }
0x118: {  	v3 =	vand.u32 $0x7, v3;
	v4 =	vand.u32 $0xFFFFFFE0, v4  }
0x119: {  	v3 =	vor.u32 v3, v4  }
0x11a: {  	v4 =	vperm.xlane v3, v0;
	_ =	sdelay $0x1  }
0x11b: {  	v4 =	vadd.s32 v1, v4;
	_ =	sdelay $0x1  }
0x11c: {  	v3 =	vperm.xlane v3, v2;
	_ =	sdelay $0x1  }
0x11d: {  	s14 =	simm.s32 $0xDC00;
	v3 =	vadd.s32 v1, v3  }
0x11e: {  	[tilespmem:s14], [sflag:$0x4] =	stream.indirect_vreg.gather [hbm4b:s1+s3], $0x80, v4, vm0, $0xb8;
	[tilespmem:$0x11C00] =	vst v63  }
0x11f: {  	s13 =	simm.s32 $0xE400  }
0x120: {  	[tilespmem:s13], [sflag:$0x4] =	stream.indirect_vreg.gather [hbm4b:s5+s3], $0x80, v4, vm0, $0xb8;
	[tilespmem:$0x11C00] =	vst v63  }
0x121: {  	s26 =	simm.s32 $0xEC00  }
0x122: {  	[tilespmem:s26], [sflag:$0x4] =	stream.indirect_vreg.gather [hbm4b:s1+s3], $0x80, v3, vm0, $0xb8;
	[tilespmem:$0x11C00] =	vst v63  }
0x123: {  	s13 =	simm.s32 $0xF400  }
0x124: {  	[tilespmem:s13], [sflag:$0x4] =	stream.indirect_vreg.gather [hbm4b:s5+s3], $0x80, v3, vm0, $0xb8;
	[tilespmem:$0x11C00] =	vst v63  }
0x125: {  	v3 =	vld [tilespmem:s0+$0xFFFFFFA0];
	_ =	sdelay $0x4  }
0x126: {  	v57 =	vshll.u32 v3, $0x2  }
0x127: {  	v3 =	vand.u32 $0x7, v3;
	v4 =	vand.u32 $0xFFFFFFE0, v57  }
0x128: {  	v3 =	vor.u32 v3, v4  }
0x129: {  	v4 =	vperm.xlane v3, v0;
	_ =	sdelay $0x1  }
0x12a: {  	v4 =	vadd.s32 v1, v4;
	_ =	sdelay $0x1  }
0x12b: {  	v3 =	vperm.xlane v3, v2;
	_ =	sdelay $0x1  }
0x12c: {  	s26 =	simm.s32 $0xFC00;
	v3 =	vadd.s32 v1, v3  }
0x12d: {  	[tilespmem:s26], [sflag:$0x4] =	stream.indirect_vreg.gather [hbm4b:s1+s3], $0x80, v4, vm0, $0xb8;
	[tilespmem:$0x11C00] =	vst v63  }
0x12e: {  	s13 =	simm.s32 $0x10400  }
0x12f: {  	[tilespmem:s13], [sflag:$0x4] =	stream.indirect_vreg.gather [hbm4b:s5+s3], $0x80, v4, vm0, $0xb8;
	[tilespmem:$0x11C00] =	vst v63  }
0x130: {  	s26 =	simm.s32 $0x10C00  }
0x131: {  	[tilespmem:s26], [sflag:$0x4] =	stream.indirect_vreg.gather [hbm4b:s1+s3], $0x80, v3, vm0, $0xb8;
	[tilespmem:$0x11C00] =	vst v63  }
0x132: {  	s13 =	simm.s32 $0x11400  }
0x133: {  	[tilespmem:s13], [sflag:$0x4] =	stream.indirect_vreg.gather [hbm4b:s5+s3], $0x80, v3, vm0, $0xb8;
	[tilespmem:$0x11C00] =	vst v63  }
0x134: {  	_ =	swait.ge [sflag:s24], $0x4000  }
0x135: {  	[sflag:s24] =	ssyncset.done $0x0  }
0x136: {  	s26 =	sadd.s32 $0x40800, s4;
	s13 =	simm.s32 $0x5C00;
	[sflag:s24] =	ssyncadd.s32 $0xFFFFC000  }
0x137: {  	[hbm4b:s26+s3] =	stream.linear.scatter [tilespmem:s13], [sflag:$0x6], $0x4000, $0x38;
	[tilespmem:$0x11C00] =	vst v63  }
0x138: {  	_ =	swait.ge [sflag:s25], $0x4000  }
0x139: {  	[sflag:s25] =	ssyncset.done $0x0  }
0x13a: {  	[sflag:s25] =	ssyncadd.s32 $0xFFFFC000  }
0x13b: {  	v3 =	vld [tilespmem:s0+$0xFFFFFFB0];
	_ =	sdelay $0x4  }
0x13c: {  	v58 =	vshll.u32 v3, $0x2  }
0x13d: {  	v3 =	vand.u32 $0x7, v3;
	v4 =	vand.u32 $0xFFFFFFE0, v58  }
0x13e: {  	v3 =	vor.u32 v3, v4  }
0x13f: {  	v4 =	vperm.xlane v3, v0;
	_ =	sdelay $0x1  }
0x140: {  	v4 =	vadd.s32 v1, v4;
	_ =	sdelay $0x1  }
0x141: {  	v3 =	vperm.xlane v3, v2;
	_ =	sdelay $0x1  }
0x142: {  	v3 =	vadd.s32 v1, v3  }
0x143: {  	[tilespmem:s16], [sflag:$0x1] =	stream.indirect_vreg.gather [hbm4b:s1+s3], $0x80, v4, vm0, $0xb8;
	[tilespmem:$0x11C00] =	vst v63  }
0x144: {  	_ = 	snop  }
0x145: {  	[tilespmem:s8], [sflag:$0x1] =	stream.indirect_vreg.gather [hbm4b:s5+s3], $0x80, v4, vm0, $0xb8;
	[tilespmem:$0x11C00] =	vst v63  }
0x146: {  	s16 =	simm.s32 $0x2C00  }
0x147: {  	[tilespmem:s16], [sflag:$0x1] =	stream.indirect_vreg.gather [hbm4b:s1+s3], $0x80, v3, vm0, $0xb8;
	[tilespmem:$0x11C00] =	vst v63  }
0x148: {  	_ = 	snop  }
0x149: {  	[tilespmem:s10], [sflag:$0x1] =	stream.indirect_vreg.gather [hbm4b:s5+s3], $0x80, v3, vm0, $0xb8;
	[tilespmem:$0x11C00] =	vst v63  }
0x14a: {  	v3 =	vld [tilespmem:s0+$0xFFFFFFC0];
	_ =	sdelay $0x4  }
0x14b: {  	v59 =	vshll.u32 v3, $0x2  }
0x14c: {  	v3 =	vand.u32 $0x7, v3;
	v4 =	vand.u32 $0xFFFFFFE0, v59  }
0x14d: {  	v3 =	vor.u32 v3, v4  }
0x14e: {  	v4 =	vperm.xlane v3, v0;
	_ =	sdelay $0x1  }
0x14f: {  	v4 =	vadd.s32 v1, v4;
	_ =	sdelay $0x1  }
0x150: {  	v3 =	vperm.xlane v3, v2;
	_ =	sdelay $0x1  }
0x151: {  	s16 =	simm.s32 $0x3C00;
	v3 =	vadd.s32 v1, v3  }
0x152: {  	[tilespmem:s16], [sflag:$0x1] =	stream.indirect_vreg.gather [hbm4b:s1+s3], $0x80, v4, vm0, $0xb8;
	[tilespmem:$0x11C00] =	vst v63  }
0x153: {  	_ = 	snop  }
0x154: {  	[tilespmem:s12], [sflag:$0x1] =	stream.indirect_vreg.gather [hbm4b:s5+s3], $0x80, v4, vm0, $0xb8;
	[tilespmem:$0x11C00] =	vst v63  }
0x155: {  	s16 =	simm.s32 $0x4C00  }
0x156: {  	[tilespmem:s16], [sflag:$0x1] =	stream.indirect_vreg.gather [hbm4b:s1+s3], $0x80, v3, vm0, $0xb8;
	[tilespmem:$0x11C00] =	vst v63  }
0x157: {  	_ = 	snop  }
0x158: {  	[tilespmem:s6], [sflag:$0x1] =	stream.indirect_vreg.gather [hbm4b:s5+s3], $0x80, v3, vm0, $0xb8;
	[tilespmem:$0x11C00] =	vst v63  }
0x159: {  	_ =	swait.ge [sflag:s28], $0x4000  }
0x15a: {  	[sflag:s28] =	ssyncset.done $0x0  }
0x15b: {  	s7 =	sadd.s32 $0x41000, s4;
	s16 =	simm.s32 $0x9C00;
	[sflag:s28] =	ssyncadd.s32 $0xFFFFC000  }
0x15c: {  	[hbm4b:s7+s3] =	stream.linear.scatter [tilespmem:s16], [sflag:$0x7], $0x4000, $0x38;
	[tilespmem:$0x11C00] =	vst v63  }
0x15d: {  	_ =	swait.ge [sflag:s29], $0x4000  }
0x15e: {  	[sflag:s29] =	ssyncset.done $0x0  }
0x15f: {  	[sflag:s29] =	ssyncadd.s32 $0xFFFFC000  }
0x160: {  	v3 =	vld [tilespmem:s0+$0xFFFFFFD0];
	_ =	sdelay $0x4  }
0x161: {  	v60 =	vshll.u32 v3, $0x2  }
0x162: {  	v3 =	vand.u32 $0x7, v3;
	v4 =	vand.u32 $0xFFFFFFE0, v60  }
0x163: {  	v3 =	vor.u32 v3, v4  }
0x164: {  	v4 =	vperm.xlane v3, v0;
	_ =	sdelay $0x1  }
0x165: {  	v4 =	vadd.s32 v1, v4;
	_ =	sdelay $0x1  }
0x166: {  	v3 =	vperm.xlane v3, v2;
	_ =	sdelay $0x1  }
0x167: {  	v3 =	vadd.s32 v1, v3  }
0x168: {  	[tilespmem:s13], [sflag:$0x2] =	stream.indirect_vreg.gather [hbm4b:s1+s3], $0x80, v4, vm0, $0xb8;
	[tilespmem:$0x11C00] =	vst v63  }
0x169: {  	_ = 	snop  }
0x16a: {  	[tilespmem:s17], [sflag:$0x2] =	stream.indirect_vreg.gather [hbm4b:s5+s3], $0x80, v4, vm0, $0xb8;
	[tilespmem:$0x11C00] =	vst v63  }
0x16b: {  	_ = 	snop  }
0x16c: {  	[tilespmem:s19], [sflag:$0x2] =	stream.indirect_vreg.gather [hbm4b:s1+s3], $0x80, v3, vm0, $0xb8;
	[tilespmem:$0x11C00] =	vst v63  }
0x16d: {  	_ = 	snop  }
0x16e: {  	[tilespmem:s20], [sflag:$0x2] =	stream.indirect_vreg.gather [hbm4b:s5+s3], $0x80, v3, vm0, $0xb8;
	[tilespmem:$0x11C00] =	vst v63  }
0x16f: {  	v3 =	vld [tilespmem:s0+$0xFFFFFFE0];
	_ =	sdelay $0x4  }
0x170: {  	v61 =	vshll.u32 v3, $0x2  }
0x171: {  	v3 =	vand.u32 $0x7, v3;
	v4 =	vand.u32 $0xFFFFFFE0, v61  }
0x172: {  	v3 =	vor.u32 v3, v4  }
0x173: {  	v4 =	vperm.xlane v3, v0;
	_ =	sdelay $0x1  }
0x174: {  	v4 =	vadd.s32 v1, v4;
	_ =	sdelay $0x1  }
0x175: {  	v3 =	vperm.xlane v3, v2;
	_ =	sdelay $0x1  }
0x176: {  	v3 =	vadd.s32 v1, v3  }
0x177: {  	[tilespmem:s21], [sflag:$0x2] =	stream.indirect_vreg.gather [hbm4b:s1+s3], $0x80, v4, vm0, $0xb8;
	[tilespmem:$0x11C00] =	vst v63  }
0x178: {  	_ = 	snop  }
0x179: {  	[tilespmem:s22], [sflag:$0x2] =	stream.indirect_vreg.gather [hbm4b:s5+s3], $0x80, v4, vm0, $0xb8;
	[tilespmem:$0x11C00] =	vst v63  }
0x17a: {  	_ = 	snop  }
0x17b: {  	[tilespmem:s18], [sflag:$0x2] =	stream.indirect_vreg.gather [hbm4b:s1+s3], $0x80, v3, vm0, $0xb8;
	[tilespmem:$0x11C00] =	vst v63  }
0x17c: {  	_ = 	snop  }
0x17d: {  	[tilespmem:s9], [sflag:$0x2] =	stream.indirect_vreg.gather [hbm4b:s5+s3], $0x80, v3, vm0, $0xb8;
	[tilespmem:$0x11C00] =	vst v63  }
0x17e: {  	_ =	swait.ge [sflag:s30], $0x4000  }
0x17f: {  	[sflag:s30] =	ssyncset.done $0x0  }
0x180: {  	s4 =	sadd.s32 $0x41800, s4;
	[sflag:s30] =	ssyncadd.s32 $0xFFFFC000  }
0x181: {  	[hbm4b:s4+s3] =	stream.linear.scatter [tilespmem:s14], [sflag:$0x8], $0x4000, $0x38;
	[tilespmem:$0x11C00] =	vst v63  }
0x182: {  	_ =	swait.ge [sflag:s31], $0x4000  }
0x183: {  	[sflag:s31] =	ssyncset.done $0x0  }
0x184: {  	[sflag:s31] =	ssyncadd.s32 $0xFFFFC000  }
0x185: {  	v3 =	vld [tilespmem:s0+$0xFFFFFFF0];
	_ =	sdelay $0x4  }
0x186: {  	v62 =	vshll.u32 v3, $0x2  }
0x187: {  	v3 =	vand.u32 $0x7, v3;
	v4 =	vand.u32 $0xFFFFFFE0, v62  }
0x188: {  	v3 =	vor.u32 v3, v4  }
0x189: {  	v4 =	vperm.xlane v3, v0;
	_ =	sdelay $0x1  }
0x18a: {  	v4 =	vadd.s32 v1, v4;
	_ =	sdelay $0x1  }
0x18b: {  	v3 =	vperm.xlane v3, v2;
	_ =	sdelay $0x1  }
0x18c: {  	v3 =	vadd.s32 v1, v3  }
0x18d: {  	[tilespmem:s16], [sflag:$0x3] =	stream.indirect_vreg.gather [hbm4b:s1+s3], $0x80, v4, vm0, $0xb8;
	[tilespmem:$0x11C00] =	vst v63  }
0x18e: {  	s16 =	simm.s32 $0xA400  }
0x18f: {  	[tilespmem:s16], [sflag:$0x3] =	stream.indirect_vreg.gather [hbm4b:s5+s3], $0x80, v4, vm0, $0xb8;
	[tilespmem:$0x11C00] =	vst v63  }
0x190: {  	_ = 	snop  }
0x191: {  	[tilespmem:s11], [sflag:$0x3] =	stream.indirect_vreg.gather [hbm4b:s1+s3], $0x80, v3, vm0, $0xb8;
	[tilespmem:$0x11C00] =	vst v63  }
0x192: {  	s16 =	simm.s32 $0xB400  }
0x193: {  	[tilespmem:s16], [sflag:$0x3] =	stream.indirect_vreg.gather [hbm4b:s5+s3], $0x80, v3, vm0, $0xb8;
	[tilespmem:$0x11C00] =	vst v63  }
0x194: {  	v3 =	vld [tilespmem:s0+$0x0];
	_ =	sdelay $0x4  }
0x195: {  	v63 =	vshll.u32 v3, $0x2  }
0x196: {  	v3 =	vand.u32 $0x7, v3;
	v4 =	vand.u32 $0xFFFFFFE0, v63  }
0x197: {  	v3 =	vor.u32 v3, v4  }
0x198: {  	v4 =	vperm.xlane v3, v0;
	_ =	sdelay $0x1  }
0x199: {  	v4 =	vadd.s32 v1, v4;
	_ =	sdelay $0x2  }
0x19a: {  	v3 =	vperm.xlane v3, v2  }
0x19b: {  	s16 =	simm.s32 $0xBC00  }
0x19c: {  	v3 =	vadd.s32 v1, v3;
	[tilespmem:s16], [sflag:$0x3] =	stream.indirect_vreg.gather [hbm4b:s1+s3], $0x80, v4, vm0, $0xb8;
	[tilespmem:$0x11C00] =	vst v63  }
0x19d: {  	p0 =	sne.s32 s15, $0xBC0000;
	s13 =	simm.s32 $0xC400  }
0x19e: {  	[tilespmem:s13], [sflag:$0x3] =	stream.indirect_vreg.gather [hbm4b:s5+s3], $0x80, v4, vm0, $0xb8;
	[tilespmem:$0x11C00] =	vst v63  }
.Ltmp0:
0x19f: {  	s15 =	sadd.s32 $0x40000, s15;
	(pc) =	sbr.rel @p0 .LBB2_2-.Ltmp0, $4  }
0x1a0: {  	s26 =	simm.s32 $0x1C00;
	s7 =	simm.s32 $0x5C00;
	s16 =	simm.s32 $0xCC00  }
0x1a1: {  	[tilespmem:s16], [sflag:$0x3] =	stream.indirect_vreg.gather [hbm4b:s1+s3], $0x80, v3, vm0, $0xb8;
	[tilespmem:$0x11C00] =	vst v63  }
0x1a2: {  	s4 =	simm.s32 $0x9C00;
	s0 =	sadd.s32 $0x80, s0;
	s16 =	simm.s32 $0xD400  }
0x1a3: {  	[tilespmem:s16], [sflag:$0x3] =	stream.indirect_vreg.gather [hbm4b:s5+s3], $0x80, v3, vm0, $0xb8;
	[tilespmem:$0x11C00] =	vst v63  }
0x1a4: {  	_ =	swait.ge [sflag:s23], $0x4000  }
0x1a5: {  	[sflag:s23] =	ssyncset.done $0x0  }
0x1a6: {  	s0 =	rddreg [dreg:$0xa];
	[sflag:s23] =	ssyncadd.s32 $0xFFFFC000  }
0x1a7: {  	[hbm4b:s0+s3] =	stream.linear.scatter [tilespmem:s26], [sflag:$0x5], $0x4000, $0x38;
	[tilespmem:$0x11C00] =	vst v63  }
0x1a8: {  	_ =	swait.ge [sflag:s2], $0x4000  }
0x1a9: {  	[sflag:s2] =	ssyncset.done $0x0  }
0x1aa: {  	[sflag:s2] =	ssyncadd.s32 $0xFFFFC000  }
0x1ab: {  	v3 =	vld [tilespmem:$0x18E0];
	_ =	sdelay $0x4  }
0x1ac: {  	v4 =	vshll.u32 v3, $0x2  }
0x1ad: {  	v3 =	vand.u32 $0x7, v3;
	v4 =	vand.u32 $0xFFFFFFE0, v4  }
0x1ae: {  	v3 =	vor.u32 v3, v4  }
0x1af: {  	v4 =	vperm.xlane v3, v0;
	_ =	sdelay $0x1  }
0x1b0: {  	v4 =	vadd.s32 v1, v4;
	_ =	sdelay $0x1  }
0x1b1: {  	v3 =	vperm.xlane v3, v2;
	_ =	sdelay $0x1  }
0x1b2: {  	s6 =	simm.s32 $0xDC00;
	v3 =	vadd.s32 v1, v3  }
0x1b3: {  	[tilespmem:s6], [sflag:$0x4] =	stream.indirect_vreg.gather [hbm4b:s1+s3], $0x80, v4, vm0, $0xb8;
	[tilespmem:$0x11C00] =	vst v63  }
0x1b4: {  	s11 =	simm.s32 $0xE400  }
0x1b5: {  	[tilespmem:s11], [sflag:$0x4] =	stream.indirect_vreg.gather [hbm4b:s5+s3], $0x80, v4, vm0, $0xb8;
	[tilespmem:$0x11C00] =	vst v63  }
0x1b6: {  	s12 =	simm.s32 $0xEC00  }
0x1b7: {  	[tilespmem:s12], [sflag:$0x4] =	stream.indirect_vreg.gather [hbm4b:s1+s3], $0x80, v3, vm0, $0xb8;
	[tilespmem:$0x11C00] =	vst v63  }
0x1b8: {  	s14 =	simm.s32 $0xF400  }
0x1b9: {  	[tilespmem:s14], [sflag:$0x4] =	stream.indirect_vreg.gather [hbm4b:s5+s3], $0x80, v3, vm0, $0xb8;
	[tilespmem:$0x11C00] =	vst v63  }
0x1ba: {  	v3 =	vld [tilespmem:$0x18F0];
	_ =	sdelay $0x4  }
0x1bb: {  	v63 =	vshll.u32 v3, $0x2  }
0x1bc: {  	v3 =	vand.u32 $0x7, v3;
	v4 =	vand.u32 $0xFFFFFFE0, v63  }
0x1bd: {  	v3 =	vor.u32 v3, v4  }
0x1be: {  	v4 =	vperm.xlane v3, v0;
	_ =	sdelay $0x1  }
0x1bf: {  	v4 =	vadd.s32 v1, v4;
	_ =	sdelay $0x1  }
0x1c0: {  	v3 =	vperm.xlane v3, v2;
	_ =	sdelay $0x1  }
0x1c1: {  	s15 =	simm.s32 $0xFC00;
	v3 =	vadd.s32 v1, v3  }
0x1c2: {  	[tilespmem:s15], [sflag:$0x4] =	stream.indirect_vreg.gather [hbm4b:s1+s3], $0x80, v4, vm0, $0xb8;
	[tilespmem:$0x11C00] =	vst v63  }
0x1c3: {  	s16 =	simm.s32 $0x10400  }
0x1c4: {  	[tilespmem:s16], [sflag:$0x4] =	stream.indirect_vreg.gather [hbm4b:s5+s3], $0x80, v4, vm0, $0xb8;
	[tilespmem:$0x11C00] =	vst v63  }
0x1c5: {  	s17 =	simm.s32 $0x10C00  }
0x1c6: {  	[tilespmem:s17], [sflag:$0x4] =	stream.indirect_vreg.gather [hbm4b:s1+s3], $0x80, v3, vm0, $0xb8;
	[tilespmem:$0x11C00] =	vst v63  }
0x1c7: {  	s18 =	simm.s32 $0x11400  }
0x1c8: {  	[tilespmem:s18], [sflag:$0x4] =	stream.indirect_vreg.gather [hbm4b:s5+s3], $0x80, v3, vm0, $0xb8;
	[tilespmem:$0x11C00] =	vst v63  }
0x1c9: {  	_ =	swait.ge [sflag:s24], $0x4000  }
0x1ca: {  	[sflag:s24] =	ssyncset.done $0x0  }
0x1cb: {  	s19 =	rddreg [dreg:$0xb];
	[sflag:s24] =	ssyncadd.s32 $0xFFFFC000  }
0x1cc: {  	[hbm4b:s19+s3] =	stream.linear.scatter [tilespmem:s7], [sflag:$0x6], $0x4000, $0x38;
	[tilespmem:$0x11C00] =	vst v63  }
0x1cd: {  	_ =	swait.ge [sflag:s25], $0x4000  }
0x1ce: {  	[sflag:s25] =	ssyncset.done $0x0  }
0x1cf: {  	[sflag:s25] =	ssyncadd.s32 $0xFFFFC000  }
0x1d0: {  	_ =	swait.ge [sflag:s28], $0x4000  }
0x1d1: {  	[sflag:s28] =	ssyncset.done $0x0  }
0x1d2: {  	s20 =	rddreg [dreg:$0xc];
	[sflag:s28] =	ssyncadd.s32 $0xFFFFC000  }
0x1d3: {  	[hbm4b:s20+s3] =	stream.linear.scatter [tilespmem:s4], [sflag:$0x7], $0x4000, $0x38;
	[tilespmem:$0x11C00] =	vst v63  }
0x1d4: {  	_ =	swait.ge [sflag:s29], $0x4000  }
0x1d5: {  	[sflag:s29] =	ssyncset.done $0x0  }
0x1d6: {  	[sflag:s29] =	ssyncadd.s32 $0xFFFFC000  }
0x1d7: {  	_ =	swait.ge [sflag:s30], $0x4000  }
0x1d8: {  	[sflag:s30] =	ssyncset.done $0x0  }
0x1d9: {  	s21 =	rddreg [dreg:$0xd];
	[sflag:s30] =	ssyncadd.s32 $0xFFFFC000  }
0x1da: {  	[hbm4b:s21+s3] =	stream.linear.scatter [tilespmem:s6], [sflag:$0x8], $0x4000, $0x38;
	[tilespmem:$0x11C00] =	vst v63  }
0x1db: {  	_ =	swait.ge [sflag:s31], $0x4000  }
0x1dc: {  	[sflag:s31] =	ssyncset.done $0x0  }
0x1dd: {  	[sflag:s31] =	ssyncadd.s32 $0xFFFFC000  }
0x1de: {  	_ =	swait.ge [sflag:s2], $0x4000  }
0x1df: {  	s8 =	simm.s32 $0x2C00;
	s22 =	rddreg [dreg:$0xf]  }
0x1e0: {  	s9 =	simm.s32 $0x3400;
	s26 =	rddreg [dreg:$0xe];
	s4 =	sadd.s32 $0x1, s22  }
0x1e1: {  	s10 =	simm.s32 $0x3C00;
	s11 =	simm.s32 $0x4400;
	p0 =	sne.s32 s4, s26  }
.Ltmp1:
0x1e2: {  	s12 =	simm.s32 $0x4C00;
	s14 =	simm.s32 $0x5400;
	(pc) =	sbr.rel @p0 .LBB2_1-.Ltmp1, $4  }
0x1e3: {  	s15 =	simm.s32 $0x2400;
	s16 =	simm.s32 $0x9400;
	s17 =	simm.s32 $0x6C00  }
0x1e4: {  	s18 =	simm.s32 $0xA400;
	s19 =	simm.s32 $0x7400;
	s20 =	simm.s32 $0x7C00  }
0x1e5: {  	s6 =	simm.s32 $0x6400;
	s21 =	simm.s32 $0x8400;
	[sflag:s2] =	ssyncset.done $0x0  }
0x1e6: {  	[sflag:s2] =	ssyncadd.s32 $0xFFFFC000;
	s22 =	simm.s32 $0x8C00;
	s26 =	simm.s32 $0xAC00  }
0x1e7: {  	_ =	sfence.sel $0x180000  }
0x1e8: {  	[bflag:$0x0] =	sbarrier.arrive $0xFFFF  }
0x1e9: {  	_ =	strace $0x90000047  }
0x1ea: {  	s0 =	stileid.u32;
	[bflag:$0x2] =	sbarrier.arrive $0xFFFF  }
0x1eb: {  	p0 =	sne.s32 s0, $0x0;
	s0 =	rddreg [dreg:$0x3]  }
0x1ec: {  	s0 =	sadd.s32 @!p0 $0x100000, s0  }
0x1ed: {  	[sflag:s0] =	ssyncadd.tile.s32 @!p0 $0x1;
	_ =	shalt  }
.Lfunc_end2:
_tile_overlayer_lowered:
.L_overlay_start_2:
0x1ee: {  	(tag) =	ssettag $0x2  }
0x1ef: {  	s0 =	rddreg [dreg:$0x0];
	s2 =	stileid.u32  }
0x1f0: {  	s1 =	rddreg [dreg:$0x1];
	p0 =	sne.s32 s2, $0x0  }
0x1f1: {  	s3 =	rddreg [dreg:$0x2];
	[bflag:$0x3] =	sbarrier.arrive $0xFFFF;
	s2 =	simm.s32 @!p0 $0x1C09  }
0x1f2: {  	[timem:s3], [sflag:s2] =	dma.local @!p0 [hbm:s0], s1  }
0x1f3: {  	s0 =	simm.s32 @!p0 $0x9  }
0x1f4: {  	_ =	swait.ge @!p0 [sflag:s0], s1  }
0x1f5: {  	s1 =	ssub.s32 @!p0 $0x0, s1;
	[sflag:s0] =	ssyncset.done @!p0 $0x0  }
0x1f6: {  	[sflag:s0] =	ssyncadd.s32 @!p0 s1  }
0x1f7: {  	[bflag:$0x3] =	sbarrier.arrive $0xFFFF  }
0x1f8: {  	_ =	shalt  }

</sc_bundles>
